<compile_context>
chip_gen: v7x
topology: tpu7x:2x2x1
jax: 0.10.2.dev20260603
libtpu: 0.0.44.dev20260713+nightly
codegen_flags: <defaults>
</compile_context>

<pallas_src>
import functools

import jax
import jax.numpy as jnp
from jax import lax
from jax.experimental import pallas as pl
from jax.experimental.pallas import tpu as pltpu
from jax.experimental.pallas import tpu_sc as plsc

N = 10000
E = 320000
D = 128
NC, NS, L = 2, 16, 16
NW = NC * NS
CH = 128
NCH = 79
TOTCH = NW * NCH
NCH0 = 96
NCH1 = TOTCH // NS - NCH0
TOTCH_AL = TOTCH + NCH0
EP = TOTCH_AL * CH
NPAD = 10240
PT = NPAD // NS

_mesh = plsc.VectorSubcoreMesh(core_axis_name="c", subcore_axis_name="s")



@functools.partial(
    pl.kernel,
    out_type=jax.ShapeDtypeStruct((NC, NPAD), jnp.float32),
    mesh=_mesh,
    scratch_types=[
        pltpu.VMEM((NCH, 2, CH), jnp.int32),
        pltpu.VMEM((CH,), jnp.float32),
        pltpu.VMEM((PT,), jnp.float32),
        pltpu.VMEM_SHARED((NPAD,), jnp.float32),
    ],
)
def _deg_kernel(eidx_hbm, out_hbm, idx_v, ones_v, zero_v, acc_sh):
    cid = lax.axis_index("c")
    sid = lax.axis_index("s")
    wid = cid * NS + sid

    def fill_ones(i, c):
        ones_v[pl.ds(i * L, L)] = jnp.full((L,), 1.0, jnp.float32)
        return c

    lax.fori_loop(0, CH // L, fill_ones, 0)

    def fill_zero(i, c):
        zero_v[pl.ds(i * L, L)] = jnp.zeros((L,), jnp.float32)
        return c

    lax.fori_loop(0, PT // L, fill_zero, 0)

    base = sid * PT
    pltpu.sync_copy(zero_v, acc_sh.at[pl.ds(base, PT)])
    plsc.subcore_barrier()

    pltpu.sync_copy(eidx_hbm.at[pl.ds(wid * NCH, NCH)], idx_v)

    def body(c, carry):
        pltpu.sync_copy(ones_v, acc_sh.at[idx_v.at[c, 1]], add=True)
        return carry

    lax.fori_loop(0, NCH, body, 0)
    plsc.subcore_barrier()
    pltpu.sync_copy(acc_sh.at[pl.ds(base, PT)], out_hbm.at[cid, pl.ds(base, PT)])


@functools.partial(
    pl.kernel,
    out_type=jax.ShapeDtypeStruct((NC, NPAD, D), jnp.float32),
    mesh=_mesh,
    scratch_types=[
        pltpu.VMEM((NCH0, 2, CH), jnp.int32),
        pltpu.VMEM((CH, D), jnp.float32),
        pltpu.VMEM_SHARED((NPAD, D), jnp.float32),
        pltpu.SemaphoreType.DMA,
        pltpu.SemaphoreType.DMA,
    ],
)
def _seg_kernel(ht_hbm, eidx_hbm, zeros_hbm, out_hbm,
                idx_v, rows_v, acc_sh, zsem, gsem):
    cid = lax.axis_index("c")
    sid = lax.axis_index("s")
    base = sid * PT
    cstart = jnp.where(cid == 0, sid * NCH0, NS * NCH0 + sid * NCH1)
    mycnt = jnp.where(cid == 0, NCH0, NCH1)

    pltpu.async_copy(zeros_hbm, acc_sh.at[pl.ds(base, PT)], zsem)
    pltpu.sync_copy(eidx_hbm.at[pl.ds(cstart, NCH0)], idx_v)
    pltpu.make_async_copy(zeros_hbm, acc_sh.at[pl.ds(base, PT)], zsem).wait()
    plsc.subcore_barrier()

    def body(o, carry):
        pltpu.async_copy(ht_hbm.at[idx_v.at[o, 0]], rows_v, gsem).wait()
        pltpu.sync_copy(rows_v, acc_sh.at[idx_v.at[o, 1]], add=True)
        return carry

    lax.fori_loop(0, mycnt, body, 0)
    plsc.subcore_barrier()
    pltpu.sync_copy(acc_sh.at[pl.ds(base, PT)],
                    out_hbm.at[cid, pl.ds(base, PT)])



def _mm_scale_body(x_ref, w_ref, deg_ref, ht_ref, dinv_ref):
    deg = deg_ref[0] + deg_ref[1]
    dinv = lax.rsqrt(deg[:N] + 1.0)
    h = jnp.dot(x_ref[...], w_ref[...], preferred_element_type=jnp.float32)
    ht_ref[...] = h * dinv
    dinv_ref[...] = dinv


def _layer_body(acc_ref, ht_ref, dinv_ref, b_ref, w_ref, out_ref):
    s = acc_ref[0, :N, :] + acc_ref[1, :N, :] + ht_ref[...]
    dinv = dinv_ref[...]
    h = jnp.maximum(s * dinv + b_ref[...], 0.0)
    out_ref[...] = jnp.dot(h, w_ref[...],
                           preferred_element_type=jnp.float32) * dinv


def _final_body(acc_ref, ht_ref, dinv_ref, b_ref, w_ref, bout_ref, out_ref):
    s = acc_ref[0, :N, :] + acc_ref[1, :N, :] + ht_ref[...]
    h = jnp.maximum(s * dinv_ref[...] + b_ref[...], 0.0)
    out_ref[...] = jnp.dot(h, w_ref[...],
                           preferred_element_type=jnp.float32) + bout_ref[...]


def kernel(x, edge_index, W1, b1, W2, b2, Wout, bout):
    ei = edge_index.astype(jnp.int32)
    pad = EP - E
    srcp = jnp.concatenate([ei[0], jnp.zeros((pad,), jnp.int32)])
    dstp = jnp.concatenate([ei[1], jnp.full((pad,), N, jnp.int32)])
    eidx = jnp.stack([srcp.reshape(TOTCH_AL, CH),
                      dstp.reshape(TOTCH_AL, CH)], axis=1)
    zrows = jnp.zeros((PT, D), jnp.float32)

    degraw = _deg_kernel(eidx).reshape(NC, NPAD, 1)

    h1t, dinv = pl.pallas_call(
        _mm_scale_body,
        out_shape=(jax.ShapeDtypeStruct((N, D), jnp.float32),
                   jax.ShapeDtypeStruct((N, 1), jnp.float32)),
    )(x, W1, degraw)

    acc1 = _seg_kernel(h1t, eidx, zrows)

    h2t = pl.pallas_call(
        _layer_body,
        out_shape=jax.ShapeDtypeStruct((N, D), jnp.float32),
    )(acc1, h1t, dinv, b1.reshape(1, D), W2)

    acc2 = _seg_kernel(h2t, eidx, zrows)

    out = pl.pallas_call(
        _final_body,
        out_shape=jax.ShapeDtypeStruct((N, 1), jnp.float32),
    )(acc2, h2t, dinv, b2.reshape(1, D), Wout, bout.reshape(1, 1))
    return out

# --- scband reference (transcript-rebuilt; emitter-appended) ---
"""Pipeline reference for scband-gcn-53755810677200 (READ-ONLY COPY).

The authoritative reference and input builder live on the scoring server;
editing this copy changes nothing except your own understanding.
"""

import jax, jax.numpy as jnp
import numpy as np

N_NODES = 10000
N_EDGES = 320000
D_IN = 128
D_HID = 128

def setup_inputs(seed: int = 0) -> dict:
    key = jax.random.key(seed)
    ks = jax.random.split(key, 8)
    x = jax.random.normal(ks[0], (N_NODES, D_IN), dtype=jnp.float32)
    edge_index = jax.random.randint(ks[1], (2, N_EDGES), 0, N_NODES, dtype=jnp.int64)
    s1 = 1.0 / np.sqrt(D_IN)
    s2 = 1.0 / np.sqrt(D_HID)
    W1 = jax.random.uniform(ks[2], (D_IN, D_HID), dtype=jnp.float32, minval=-s1, maxval=s1)
    b1 = jax.random.uniform(ks[3], (D_HID,), dtype=jnp.float32, minval=-s1, maxval=s1)
    W2 = jax.random.uniform(ks[4], (D_HID, D_HID), dtype=jnp.float32, minval=-s2, maxval=s2)
    b2 = jax.random.uniform(ks[5], (D_HID,), dtype=jnp.float32, minval=-s2, maxval=s2)
    Wout = jax.random.uniform(ks[6], (D_HID, 1), dtype=jnp.float32, minval=-s2, maxval=s2)
    bout = jax.random.uniform(ks[7], (1,), dtype=jnp.float32, minval=-s2, maxval=s2)
    return {"x": x, "edge_index": edge_index, "W1": W1, "b1": b1, "W2": W2, "b2": b2, "Wout": Wout, "bout": bout}

def _gcn_conv(x, edge_index, W, b):
    # PyG GCNConv: x' = D^{-1/2} (A + I) D^{-1/2} X W + b
    n = x.shape[0]
    h = x @ W
    loop = jnp.arange(n, dtype=edge_index.dtype)
    src = jnp.concatenate([edge_index[0], loop])
    dst = jnp.concatenate([edge_index[1], loop])
    deg = jnp.zeros((n,), dtype=h.dtype).at[dst].add(1.0)
    dinv = jnp.where(deg > 0, 1.0 / jnp.sqrt(deg), 0.0)
    norm = dinv[src] * dinv[dst]
    msg = h[src] * norm[:, None]
    out = jnp.zeros_like(h).at[dst].add(msg)
    return out + b

def reference(x, edge_index, W1, b1, W2, b2, Wout, bout):
    h = _gcn_conv(x, edge_index, W1, b1)
    h = jax.nn.relu(h)
    h = _gcn_conv(h, edge_index, W2, b2)
    h = jax.nn.relu(h)
    out = h @ Wout + bout
    return out

if __name__ == "__main__":
    import jax
    _d = setup_inputs()
    print(jax.jit(kernel)(*tuple(_d.values())))

</pallas_src>

<mosaic_0001>
#map = affine_map<(d0, d1) -> (0, 0, 0)>
#map1 = affine_map<(d0, d1) -> (0, 0)>
module attributes {stable_mosaic.version = 14 : i64} {
  func.func @_deg_kernel(%arg0: i32, %arg1: i32, %arg2: memref<2624x2x128xi32, #tpu.memory_space<hbm>>, %arg3: memref<2x10240xf32, #tpu.memory_space<hbm>>, %arg4: memref<79x2x128xi32, #tpu.memory_space<vmem>>, %arg5: memref<128xf32, #tpu.memory_space<vmem>>, %arg6: memref<640xf32, #tpu.memory_space<vmem>>, %arg7: memref<10240xf32, #tpu.memory_space<vmem_shared>>) attributes {dimension_semantics = [#tpu.dimension_semantics<core_parallel>, #tpu.dimension_semantics<subcore_parallel>], iteration_bounds = array<i64: 2, 16>, scalar_prefetch = 0 : i64, scratch_operands = 4 : i64, tpu.core_type = #tpu.core_type<sc_vector_subcore>, window_params = [{transform_indices = #map}, {transform_indices = #map1}]} {
    %mul3A = arith.constant 16 : i32
    %mul3A_0 = arith.muli %arg0, %mul3A : i32
    %add3A = arith.addi %mul3A_0, %arg1 : i32
    %scan3A = arith.constant 0 : i32
    %scan3A_1 = arith.constant 0 : i32
    %scan3A_2 = arith.constant 8 : i32
    %scan3A_3 = arith.addi %scan3A_1, %scan3A_2 : i32
    %scan3A_4 = arith.constant 1 : i32
    scf.for %scan3A_23 = %scan3A_1 to %scan3A_3 step %scan3A_4  : i32 {
      %broadcast_in_dim3A = arith.constant 1.000000e+00 : f32
      %broadcast_in_dim3A_24 = vector.broadcast %broadcast_in_dim3A : f32 to vector<16xf32>
      %mul3A_25 = arith.constant 16 : i32
      %mul3A_26 = arith.muli %scan3A_23, %mul3A_25 : i32
      %swap3A = arith.index_cast %mul3A_26 : i32 to index
      %swap3A_27 = tpu.vector_load %arg5[%swap3A] {strides = array<i32>} : memref<128xf32, #tpu.memory_space<vmem>>, vector<16xf32>,
      %swap3A_28 = vector.shape_cast %swap3A_27 : vector<16xf32> to vector<16xf32>
      %swap3A_29 = vector.shape_cast %broadcast_in_dim3A_24 : vector<16xf32> to vector<16xf32>
      tpu.vector_store %arg5[%swap3A], %swap3A_29 {strides = array<i32>} : memref<128xf32, #tpu.memory_space<vmem>>, vector<16xf32>,
    }
    %scan3A_5 = arith.constant 8 : i32
    %scan3A_6 = arith.constant 0 : i32
    %scan3A_7 = arith.constant 0 : i32
    %scan3A_8 = arith.constant 40 : i32
    %scan3A_9 = arith.addi %scan3A_7, %scan3A_8 : i32
    %scan3A_10 = arith.constant 1 : i32
    scf.for %scan3A_23 = %scan3A_7 to %scan3A_9 step %scan3A_10  : i32 {
      %broadcast_in_dim3A = arith.constant 0.000000e+00 : f32
      %broadcast_in_dim3A_24 = vector.broadcast %broadcast_in_dim3A : f32 to vector<16xf32>
      %mul3A_25 = arith.constant 16 : i32
      %mul3A_26 = arith.muli %scan3A_23, %mul3A_25 : i32
      %swap3A = arith.index_cast %mul3A_26 : i32 to index
      %swap3A_27 = tpu.vector_load %arg6[%swap3A] {strides = array<i32>} : memref<640xf32, #tpu.memory_space<vmem>>, vector<16xf32>,
      %swap3A_28 = vector.shape_cast %swap3A_27 : vector<16xf32> to vector<16xf32>
      %swap3A_29 = vector.shape_cast %broadcast_in_dim3A_24 : vector<16xf32> to vector<16xf32>
      tpu.vector_store %arg6[%swap3A], %swap3A_29 {strides = array<i32>} : memref<640xf32, #tpu.memory_space<vmem>>, vector<16xf32>,
    }
    %scan3A_11 = arith.constant 40 : i32
    %mul3A_12 = arith.constant 640 : i32
    %mul3A_13 = arith.muli %arg1, %mul3A_12 : i32
    "tpu.region"() ({
      %run_scoped3A = tpu.sem_alloc : memref<!tpu.dma_semaphore, #tpu.memory_space<semaphore_mem>>
      %dma_start3A = tpu.memref_slice %arg7[%mul3A_13] : memref<10240xf32, #tpu.memory_space<vmem_shared>> -> memref<640xf32, #tpu.memory_space<vmem_shared>>
      %dma_start3A_23 = tpu.memref_slice %arg7[%mul3A_13] : memref<10240xf32, #tpu.memory_space<vmem_shared>> -> memref<640xf32, #tpu.memory_space<vmem_shared>>
      tpu.enqueue_dma source(%arg6 : memref<640xf32, #tpu.memory_space<vmem>>) target(%dma_start3A_23 : memref<640xf32, #tpu.memory_space<vmem_shared>>) target_semaphore(%run_scoped3A : memref<!tpu.dma_semaphore, #tpu.memory_space<semaphore_mem>>)
      %dma_wait3A = tpu.memref_slice %arg7[%mul3A_13] : memref<10240xf32, #tpu.memory_space<vmem_shared>> -> memref<640xf32, #tpu.memory_space<vmem_shared>>
      %dma_wait3A_24 = tpu.memref_slice %arg7[%mul3A_13] : memref<10240xf32, #tpu.memory_space<vmem_shared>> -> memref<640xf32, #tpu.memory_space<vmem_shared>>
      tpu.wait_dma2 semaphore(%run_scoped3A : memref<!tpu.dma_semaphore, #tpu.memory_space<semaphore_mem>>) src(%arg6 : memref<640xf32, #tpu.memory_space<vmem>>) dst(%dma_wait3A_24 : memref<640xf32, #tpu.memory_space<vmem_shared>>)
      tpu.yield
    }) : () -> ()
    %barrier3A = arith.constant 0 : index
    tpu.barrier barrier_id(%barrier3A)
    %mul3A_14 = arith.constant 79 : i32
    %mul3A_15 = arith.muli %add3A, %mul3A_14 : i32
    "tpu.region"() ({
      %run_scoped3A = tpu.sem_alloc : memref<!tpu.dma_semaphore, #tpu.memory_space<semaphore_mem>>
      %dma_start3A = arith.constant 0 : i32
      %dma_start3A_23 = arith.constant 0 : i32
      %dma_start3A_24 = tpu.memref_slice %arg2[%mul3A_15, %dma_start3A, %dma_start3A_23] : memref<2624x2x128xi32, #tpu.memory_space<hbm>> -> memref<79x2x128xi32, #tpu.memory_space<hbm>>
      %dma_start3A_25 = arith.constant 0 : i32
      %dma_start3A_26 = arith.constant 0 : i32
      %dma_start3A_27 = tpu.memref_slice %arg2[%mul3A_15, %dma_start3A_25, %dma_start3A_26] : memref<2624x2x128xi32, #tpu.memory_space<hbm>> -> memref<79x2x128xi32, #tpu.memory_space<hbm>>
      tpu.enqueue_dma source(%dma_start3A_27 : memref<79x2x128xi32, #tpu.memory_space<hbm>>) target(%arg4 : memref<79x2x128xi32, #tpu.memory_space<vmem>>) target_semaphore(%run_scoped3A : memref<!tpu.dma_semaphore, #tpu.memory_space<semaphore_mem>>)
      %dma_wait3A = arith.constant 0 : i32
      %dma_wait3A_28 = arith.constant 0 : i32
      %dma_wait3A_29 = tpu.memref_slice %arg2[%mul3A_15, %dma_wait3A, %dma_wait3A_28] : memref<2624x2x128xi32, #tpu.memory_space<hbm>> -> memref<79x2x128xi32, #tpu.memory_space<hbm>>
      %dma_wait3A_30 = arith.constant 0 : i32
      %dma_wait3A_31 = arith.constant 0 : i32
      %dma_wait3A_32 = tpu.memref_slice %arg2[%mul3A_15, %dma_wait3A_30, %dma_wait3A_31] : memref<2624x2x128xi32, #tpu.memory_space<hbm>> -> memref<79x2x128xi32, #tpu.memory_space<hbm>>
      tpu.wait_dma2 semaphore(%run_scoped3A : memref<!tpu.dma_semaphore, #tpu.memory_space<semaphore_mem>>) src(%dma_wait3A_32 : memref<79x2x128xi32, #tpu.memory_space<hbm>>) dst(%arg4 : memref<79x2x128xi32, #tpu.memory_space<vmem>>)
      tpu.yield
    }) : () -> ()
    %scan3A_16 = arith.constant 0 : i32
    %scan3A_17 = arith.constant 0 : i32
    %scan3A_18 = arith.constant 79 : i32
    %scan3A_19 = arith.addi %scan3A_17, %scan3A_18 : i32
    %scan3A_20 = arith.constant 1 : i32
    scf.for %scan3A_23 = %scan3A_17 to %scan3A_19 step %scan3A_20  : i32 {
      %run_scoped3A = arith.constant 1 : i32
      "tpu.region"() ({
        %run_scoped3A_24 = tpu.sem_alloc : memref<!tpu.dma_semaphore, #tpu.memory_space<semaphore_mem>>
        %dma_start3A = arith.constant 0 : i32
        %dma_start3A_25 = tpu.memref_slice %arg4[%scan3A_23, %run_scoped3A, %dma_start3A] : memref<79x2x128xi32, #tpu.memory_space<vmem>> -> memref<1x1x128xi32, #tpu.memory_space<vmem>>
        %dma_start3A_26 = tpu.memref_squeeze %dma_start3A_25 : memref<1x1x128xi32, #tpu.memory_space<vmem>> -> memref<128xi32, #tpu.memory_space<vmem>>
        %dma_start3A_27 = arith.constant 0 : i32
        %dma_start3A_28 = tpu.memref_slice %arg7[%dma_start3A_27] : memref<10240xf32, #tpu.memory_space<vmem_shared>> -> memref<10240xf32, #tpu.memory_space<vmem_shared>>
        tpu.enqueue_indirect_dma source(%arg5 : memref<128xf32, #tpu.memory_space<vmem>>) target(%dma_start3A_28 : memref<10240xf32, #tpu.memory_space<vmem_shared>>) offsets(%dma_start3A_26 : memref<128xi32, #tpu.memory_space<vmem>>) semaphore(%run_scoped3A_24 : memref<!tpu.dma_semaphore, #tpu.memory_space<semaphore_mem>>) {add = true}
        %dma_wait3A = arith.constant 0 : i32
        %dma_wait3A_29 = tpu.memref_slice %arg4[%scan3A_23, %run_scoped3A, %dma_wait3A] : memref<79x2x128xi32, #tpu.memory_space<vmem>> -> memref<1x1x128xi32, #tpu.memory_space<vmem>>
        %dma_wait3A_30 = tpu.memref_squeeze %dma_wait3A_29 : memref<1x1x128xi32, #tpu.memory_space<vmem>> -> memref<128xi32, #tpu.memory_space<vmem>>
        %dma_wait3A_31 = arith.constant 0 : i32
        %dma_wait3A_32 = tpu.memref_slice %arg7[%dma_wait3A_31] : memref<10240xf32, #tpu.memory_space<vmem_shared>> -> memref<10240xf32, #tpu.memory_space<vmem_shared>>
        tpu.wait_indirect_dma semaphore(%run_scoped3A_24 : memref<!tpu.dma_semaphore, #tpu.memory_space<semaphore_mem>>) src(%arg5 : memref<128xf32, #tpu.memory_space<vmem>>) dst(%dma_wait3A_32 : memref<10240xf32, #tpu.memory_space<vmem_shared>>)
        tpu.yield
      }) : () -> ()
    }
    %scan3A_21 = arith.constant 79 : i32
    %barrier3A_22 = arith.constant 0 : index
    tpu.barrier barrier_id(%barrier3A_22)
    "tpu.region"() ({
      %run_scoped3A = tpu.sem_alloc : memref<!tpu.dma_semaphore, #tpu.memory_space<semaphore_mem>>
      %dma_start3A = tpu.memref_slice %arg3[%arg0, %mul3A_13] : memref<2x10240xf32, #tpu.memory_space<hbm>> -> memref<1x640xf32, #tpu.memory_space<hbm>>
      %dma_start3A_23 = tpu.memref_squeeze %dma_start3A : memref<1x640xf32, #tpu.memory_space<hbm>> -> memref<640xf32, #tpu.memory_space<hbm>>
      %dma_start3A_24 = tpu.memref_slice %arg7[%mul3A_13] : memref<10240xf32, #tpu.memory_space<vmem_shared>> -> memref<640xf32, #tpu.memory_space<vmem_shared>>
      tpu.enqueue_dma source(%dma_start3A_24 : memref<640xf32, #tpu.memory_space<vmem_shared>>) target(%dma_start3A_23 : memref<640xf32, #tpu.memory_space<hbm>>) target_semaphore(%run_scoped3A : memref<!tpu.dma_semaphore, #tpu.memory_space<semaphore_mem>>)
      %dma_wait3A = tpu.memref_slice %arg3[%arg0, %mul3A_13] : memref<2x10240xf32, #tpu.memory_space<hbm>> -> memref<1x640xf32, #tpu.memory_space<hbm>>
      %dma_wait3A_25 = tpu.memref_squeeze %dma_wait3A : memref<1x640xf32, #tpu.memory_space<hbm>> -> memref<640xf32, #tpu.memory_space<hbm>>
      %dma_wait3A_26 = tpu.memref_slice %arg7[%mul3A_13] : memref<10240xf32, #tpu.memory_space<vmem_shared>> -> memref<640xf32, #tpu.memory_space<vmem_shared>>
      tpu.wait_dma2 semaphore(%run_scoped3A : memref<!tpu.dma_semaphore, #tpu.memory_space<semaphore_mem>>) src(%dma_wait3A_26 : memref<640xf32, #tpu.memory_space<vmem_shared>>) dst(%dma_wait3A_25 : memref<640xf32, #tpu.memory_space<hbm>>)
      tpu.yield
    }) : () -> ()
    return
  }
}

#map = affine_map<(d0, d1) -> (0, 0)>
#map1 = affine_map<(d0, d1) -> (0, 0, 0)>
module attributes {stable_mosaic.version = 14 : i64} {
  func.func @_seg_kernel(%arg0: i32, %arg1: i32, %arg2: memref<10000x128xf32, #tpu.memory_space<hbm>>, %arg3: memref<2624x2x128xi32, #tpu.memory_space<hbm>>, %arg4: memref<640x128xf32, #tpu.memory_space<hbm>>, %arg5: memref<2x10240x128xf32, #tpu.memory_space<hbm>>, %arg6: memref<96x2x128xi32, #tpu.memory_space<vmem>>, %arg7: memref<128x128xf32, #tpu.memory_space<vmem>>, %arg8: memref<10240x128xf32, #tpu.memory_space<vmem_shared>>, %arg9: memref<!tpu.dma_semaphore, #tpu.memory_space<semaphore_mem>>, %arg10: memref<!tpu.dma_semaphore, #tpu.memory_space<semaphore_mem>>) attributes {dimension_semantics = [#tpu.dimension_semantics<core_parallel>, #tpu.dimension_semantics<subcore_parallel>], iteration_bounds = array<i64: 2, 16>, scalar_prefetch = 0 : i64, scratch_operands = 5 : i64, tpu.core_type = #tpu.core_type<sc_vector_subcore>, window_params = [{transform_indices = #map}, {transform_indices = #map1}, {transform_indices = #map}, {transform_indices = #map1}]} {
    %mul3A = arith.constant 640 : i32
    %mul3A_0 = arith.muli %arg1, %mul3A : i32
    %eq3A = arith.constant 0 : i32
    %eq3A_1 = arith.cmpi eq, %arg0, %eq3A : i32
    %mul3A_2 = arith.constant 96 : i32
    %mul3A_3 = arith.muli %arg1, %mul3A_2 : i32
    %mul3A_4 = arith.constant 62 : i32
    %mul3A_5 = arith.muli %arg1, %mul3A_4 : i32
    %add3A = arith.constant 1536 : i32
    %add3A_6 = arith.addi %add3A, %mul3A_5 : i32
    %select_n3A = arith.select %eq3A_1, %mul3A_3, %add3A_6 : i32
    %eq3A_7 = arith.constant 0 : i32
    %eq3A_8 = arith.cmpi eq, %arg0, %eq3A_7 : i32
    %jit3A = arith.constant 96 : i32
    %jit3A_9 = arith.constant 62 : i32
    %select_n3A_10 = arith.select %eq3A_8, %jit3A, %jit3A_9 : i32
    %dma_start3A = arith.constant 0 : i32
    %dma_start3A_11 = tpu.memref_slice %arg8[%mul3A_0, %dma_start3A] : memref<10240x128xf32, #tpu.memory_space<vmem_shared>> -> memref<640x128xf32, #tpu.memory_space<vmem_shared>>
    tpu.enqueue_dma source(%arg4 : memref<640x128xf32, #tpu.memory_space<hbm>>) target(%dma_start3A_11 : memref<640x128xf32, #tpu.memory_space<vmem_shared>>) target_semaphore(%arg9 : memref<!tpu.dma_semaphore, #tpu.memory_space<semaphore_mem>>)
    "tpu.region"() ({
      %run_scoped3A = tpu.sem_alloc : memref<!tpu.dma_semaphore, #tpu.memory_space<semaphore_mem>>
      %dma_start3A_23 = arith.constant 0 : i32
      %dma_start3A_24 = arith.constant 0 : i32
      %dma_start3A_25 = tpu.memref_slice %arg3[%select_n3A, %dma_start3A_23, %dma_start3A_24] : memref<2624x2x128xi32, #tpu.memory_space<hbm>> -> memref<96x2x128xi32, #tpu.memory_space<hbm>>
      %dma_start3A_26 = arith.constant 0 : i32
      %dma_start3A_27 = arith.constant 0 : i32
      %dma_start3A_28 = tpu.memref_slice %arg3[%select_n3A, %dma_start3A_26, %dma_start3A_27] : memref<2624x2x128xi32, #tpu.memory_space<hbm>> -> memref<96x2x128xi32, #tpu.memory_space<hbm>>
      tpu.enqueue_dma source(%dma_start3A_28 : memref<96x2x128xi32, #tpu.memory_space<hbm>>) target(%arg6 : memref<96x2x128xi32, #tpu.memory_space<vmem>>) target_semaphore(%run_scoped3A : memref<!tpu.dma_semaphore, #tpu.memory_space<semaphore_mem>>)
      %dma_wait3A_29 = arith.constant 0 : i32
      %dma_wait3A_30 = arith.constant 0 : i32
      %dma_wait3A_31 = tpu.memref_slice %arg3[%select_n3A, %dma_wait3A_29, %dma_wait3A_30] : memref<2624x2x128xi32, #tpu.memory_space<hbm>> -> memref<96x2x128xi32, #tpu.memory_space<hbm>>
      %dma_wait3A_32 = arith.constant 0 : i32
      %dma_wait3A_33 = arith.constant 0 : i32
      %dma_wait3A_34 = tpu.memref_slice %arg3[%select_n3A, %dma_wait3A_32, %dma_wait3A_33] : memref<2624x2x128xi32, #tpu.memory_space<hbm>> -> memref<96x2x128xi32, #tpu.memory_space<hbm>>
      tpu.wait_dma2 semaphore(%run_scoped3A : memref<!tpu.dma_semaphore, #tpu.memory_space<semaphore_mem>>) src(%dma_wait3A_34 : memref<96x2x128xi32, #tpu.memory_space<hbm>>) dst(%arg6 : memref<96x2x128xi32, #tpu.memory_space<vmem>>)
      tpu.yield
    }) : () -> ()
    %dma_wait3A = arith.constant 0 : i32
    %dma_wait3A_12 = tpu.memref_slice %arg8[%mul3A_0, %dma_wait3A] : memref<10240x128xf32, #tpu.memory_space<vmem_shared>> -> memref<640x128xf32, #tpu.memory_space<vmem_shared>>
    tpu.wait_dma2 semaphore(%arg9 : memref<!tpu.dma_semaphore, #tpu.memory_space<semaphore_mem>>) src(%arg4 : memref<640x128xf32, #tpu.memory_space<hbm>>) dst(%dma_wait3A_12 : memref<640x128xf32, #tpu.memory_space<vmem_shared>>)
    %barrier3A = arith.constant 0 : index
    tpu.barrier barrier_id(%barrier3A)
    %while3A = arith.constant 0 : i32
    %while3A_13 = arith.constant 0 : i32
    %while3A_14 = arith.subi %select_n3A_10, %while3A_13 : i32
    %while3A_15 = arith.addi %while3A_13, %while3A_14 : i32
    %while3A_16 = arith.constant 1 : i32
    %while3A_17 = arith.divsi %while3A_14, %while3A_16 : i32
    %while3A_18 = arith.muli %while3A_17, %while3A_16 : i32
    %while3A_19 = arith.addi %while3A_13, %while3A_18 : i32
    %while3A_20 = arith.constant 1 : i32
    scf.for %while3A_23 = %while3A_13 to %while3A_19 step %while3A_20  : i32 {
      %dma_start3A_24 = arith.constant 0 : i32
      %dma_start3A_25 = arith.constant 0 : i32
      %dma_start3A_26 = tpu.memref_slice %arg6[%while3A_23, %dma_start3A_24, %dma_start3A_25] : memref<96x2x128xi32, #tpu.memory_space<vmem>> -> memref<1x1x128xi32, #tpu.memory_space<vmem>>
      %dma_start3A_27 = tpu.memref_squeeze %dma_start3A_26 : memref<1x1x128xi32, #tpu.memory_space<vmem>> -> memref<128xi32, #tpu.memory_space<vmem>>
      %dma_start3A_28 = arith.constant 0 : i32
      %dma_start3A_29 = arith.constant 0 : i32
      %dma_start3A_30 = tpu.memref_slice %arg2[%dma_start3A_28, %dma_start3A_29] : memref<10000x128xf32, #tpu.memory_space<hbm>> -> memref<10000x128xf32, #tpu.memory_space<hbm>>
      tpu.enqueue_indirect_dma source(%dma_start3A_30 : memref<10000x128xf32, #tpu.memory_space<hbm>>) target(%arg7 : memref<128x128xf32, #tpu.memory_space<vmem>>) offsets(%dma_start3A_27 : memref<128xi32, #tpu.memory_space<vmem>>) semaphore(%arg10 : memref<!tpu.dma_semaphore, #tpu.memory_space<semaphore_mem>>)
      %dma_wait3A_31 = arith.constant 0 : i32
      %dma_wait3A_32 = arith.constant 0 : i32
      %dma_wait3A_33 = tpu.memref_slice %arg6[%while3A_23, %dma_wait3A_31, %dma_wait3A_32] : memref<96x2x128xi32, #tpu.memory_space<vmem>> -> memref<1x1x128xi32, #tpu.memory_space<vmem>>
      %dma_wait3A_34 = tpu.memref_squeeze %dma_wait3A_33 : memref<1x1x128xi32, #tpu.memory_space<vmem>> -> memref<128xi32, #tpu.memory_space<vmem>>
      %dma_wait3A_35 = arith.constant 0 : i32
      %dma_wait3A_36 = arith.constant 0 : i32
      %dma_wait3A_37 = tpu.memref_slice %arg2[%dma_wait3A_35, %dma_wait3A_36] : memref<10000x128xf32, #tpu.memory_space<hbm>> -> memref<10000x128xf32, #tpu.memory_space<hbm>>
      tpu.wait_indirect_dma semaphore(%arg10 : memref<!tpu.dma_semaphore, #tpu.memory_space<semaphore_mem>>) src(%dma_wait3A_37 : memref<10000x128xf32, #tpu.memory_space<hbm>>) dst(%arg7 : memref<128x128xf32, #tpu.memory_space<vmem>>)
      %run_scoped3A = arith.constant 1 : i32
      "tpu.region"() ({
        %run_scoped3A_38 = tpu.sem_alloc : memref<!tpu.dma_semaphore, #tpu.memory_space<semaphore_mem>>
        %dma_start3A_39 = arith.constant 0 : i32
        %dma_start3A_40 = tpu.memref_slice %arg6[%while3A_23, %run_scoped3A, %dma_start3A_39] : memref<96x2x128xi32, #tpu.memory_space<vmem>> -> memref<1x1x128xi32, #tpu.memory_space<vmem>>
        %dma_start3A_41 = tpu.memref_squeeze %dma_start3A_40 : memref<1x1x128xi32, #tpu.memory_space<vmem>> -> memref<128xi32, #tpu.memory_space<vmem>>
        %dma_start3A_42 = arith.constant 0 : i32
        %dma_start3A_43 = arith.constant 0 : i32
        %dma_start3A_44 = tpu.memref_slice %arg8[%dma_start3A_42, %dma_start3A_43] : memref<10240x128xf32, #tpu.memory_space<vmem_shared>> -> memref<10240x128xf32, #tpu.memory_space<vmem_shared>>
        tpu.enqueue_indirect_dma source(%arg7 : memref<128x128xf32, #tpu.memory_space<vmem>>) target(%dma_start3A_44 : memref<10240x128xf32, #tpu.memory_space<vmem_shared>>) offsets(%dma_start3A_41 : memref<128xi32, #tpu.memory_space<vmem>>) semaphore(%run_scoped3A_38 : memref<!tpu.dma_semaphore, #tpu.memory_space<semaphore_mem>>) {add = true}
        %dma_wait3A_45 = arith.constant 0 : i32
        %dma_wait3A_46 = tpu.memref_slice %arg6[%while3A_23, %run_scoped3A, %dma_wait3A_45] : memref<96x2x128xi32, #tpu.memory_space<vmem>> -> memref<1x1x128xi32, #tpu.memory_space<vmem>>
        %dma_wait3A_47 = tpu.memref_squeeze %dma_wait3A_46 : memref<1x1x128xi32, #tpu.memory_space<vmem>> -> memref<128xi32, #tpu.memory_space<vmem>>
        %dma_wait3A_48 = arith.constant 0 : i32
        %dma_wait3A_49 = arith.constant 0 : i32
        %dma_wait3A_50 = tpu.memref_slice %arg8[%dma_wait3A_48, %dma_wait3A_49] : memref<10240x128xf32, #tpu.memory_space<vmem_shared>> -> memref<10240x128xf32, #tpu.memory_space<vmem_shared>>
        tpu.wait_indirect_dma semaphore(%run_scoped3A_38 : memref<!tpu.dma_semaphore, #tpu.memory_space<semaphore_mem>>) src(%arg7 : memref<128x128xf32, #tpu.memory_space<vmem>>) dst(%dma_wait3A_50 : memref<10240x128xf32, #tpu.memory_space<vmem_shared>>)
        tpu.yield
      }) : () -> ()
    }
    %while3A_21 = arith.constant 1 : i32
    scf.for %while3A_23 = %while3A_19 to %while3A_15 step %while3A_21  : i32 {
      %dma_start3A_24 = arith.constant 0 : i32
      %dma_start3A_25 = arith.constant 0 : i32
      %dma_start3A_26 = tpu.memref_slice %arg6[%while3A_23, %dma_start3A_24, %dma_start3A_25] : memref<96x2x128xi32, #tpu.memory_space<vmem>> -> memref<1x1x128xi32, #tpu.memory_space<vmem>>
      %dma_start3A_27 = tpu.memref_squeeze %dma_start3A_26 : memref<1x1x128xi32, #tpu.memory_space<vmem>> -> memref<128xi32, #tpu.memory_space<vmem>>
      %dma_start3A_28 = arith.constant 0 : i32
      %dma_start3A_29 = arith.constant 0 : i32
      %dma_start3A_30 = tpu.memref_slice %arg2[%dma_start3A_28, %dma_start3A_29] : memref<10000x128xf32, #tpu.memory_space<hbm>> -> memref<10000x128xf32, #tpu.memory_space<hbm>>
      tpu.enqueue_indirect_dma source(%dma_start3A_30 : memref<10000x128xf32, #tpu.memory_space<hbm>>) target(%arg7 : memref<128x128xf32, #tpu.memory_space<vmem>>) offsets(%dma_start3A_27 : memref<128xi32, #tpu.memory_space<vmem>>) semaphore(%arg10 : memref<!tpu.dma_semaphore, #tpu.memory_space<semaphore_mem>>)
      %dma_wait3A_31 = arith.constant 0 : i32
      %dma_wait3A_32 = arith.constant 0 : i32
      %dma_wait3A_33 = tpu.memref_slice %arg6[%while3A_23, %dma_wait3A_31, %dma_wait3A_32] : memref<96x2x128xi32, #tpu.memory_space<vmem>> -> memref<1x1x128xi32, #tpu.memory_space<vmem>>
      %dma_wait3A_34 = tpu.memref_squeeze %dma_wait3A_33 : memref<1x1x128xi32, #tpu.memory_space<vmem>> -> memref<128xi32, #tpu.memory_space<vmem>>
      %dma_wait3A_35 = arith.constant 0 : i32
      %dma_wait3A_36 = arith.constant 0 : i32
      %dma_wait3A_37 = tpu.memref_slice %arg2[%dma_wait3A_35, %dma_wait3A_36] : memref<10000x128xf32, #tpu.memory_space<hbm>> -> memref<10000x128xf32, #tpu.memory_space<hbm>>
      tpu.wait_indirect_dma semaphore(%arg10 : memref<!tpu.dma_semaphore, #tpu.memory_space<semaphore_mem>>) src(%dma_wait3A_37 : memref<10000x128xf32, #tpu.memory_space<hbm>>) dst(%arg7 : memref<128x128xf32, #tpu.memory_space<vmem>>)
      %run_scoped3A = arith.constant 1 : i32
      "tpu.region"() ({
        %run_scoped3A_38 = tpu.sem_alloc : memref<!tpu.dma_semaphore, #tpu.memory_space<semaphore_mem>>
        %dma_start3A_39 = arith.constant 0 : i32
        %dma_start3A_40 = tpu.memref_slice %arg6[%while3A_23, %run_scoped3A, %dma_start3A_39] : memref<96x2x128xi32, #tpu.memory_space<vmem>> -> memref<1x1x128xi32, #tpu.memory_space<vmem>>
        %dma_start3A_41 = tpu.memref_squeeze %dma_start3A_40 : memref<1x1x128xi32, #tpu.memory_space<vmem>> -> memref<128xi32, #tpu.memory_space<vmem>>
        %dma_start3A_42 = arith.constant 0 : i32
        %dma_start3A_43 = arith.constant 0 : i32
        %dma_start3A_44 = tpu.memref_slice %arg8[%dma_start3A_42, %dma_start3A_43] : memref<10240x128xf32, #tpu.memory_space<vmem_shared>> -> memref<10240x128xf32, #tpu.memory_space<vmem_shared>>
        tpu.enqueue_indirect_dma source(%arg7 : memref<128x128xf32, #tpu.memory_space<vmem>>) target(%dma_start3A_44 : memref<10240x128xf32, #tpu.memory_space<vmem_shared>>) offsets(%dma_start3A_41 : memref<128xi32, #tpu.memory_space<vmem>>) semaphore(%run_scoped3A_38 : memref<!tpu.dma_semaphore, #tpu.memory_space<semaphore_mem>>) {add = true}
        %dma_wait3A_45 = arith.constant 0 : i32
        %dma_wait3A_46 = tpu.memref_slice %arg6[%while3A_23, %run_scoped3A, %dma_wait3A_45] : memref<96x2x128xi32, #tpu.memory_space<vmem>> -> memref<1x1x128xi32, #tpu.memory_space<vmem>>
        %dma_wait3A_47 = tpu.memref_squeeze %dma_wait3A_46 : memref<1x1x128xi32, #tpu.memory_space<vmem>> -> memref<128xi32, #tpu.memory_space<vmem>>
        %dma_wait3A_48 = arith.constant 0 : i32
        %dma_wait3A_49 = arith.constant 0 : i32
        %dma_wait3A_50 = tpu.memref_slice %arg8[%dma_wait3A_48, %dma_wait3A_49] : memref<10240x128xf32, #tpu.memory_space<vmem_shared>> -> memref<10240x128xf32, #tpu.memory_space<vmem_shared>>
        tpu.wait_indirect_dma semaphore(%run_scoped3A_38 : memref<!tpu.dma_semaphore, #tpu.memory_space<semaphore_mem>>) src(%arg7 : memref<128x128xf32, #tpu.memory_space<vmem>>) dst(%dma_wait3A_50 : memref<10240x128xf32, #tpu.memory_space<vmem_shared>>)
        tpu.yield
      }) : () -> ()
    }
    %barrier3A_22 = arith.constant 0 : index
    tpu.barrier barrier_id(%barrier3A_22)
    "tpu.region"() ({
      %run_scoped3A = tpu.sem_alloc : memref<!tpu.dma_semaphore, #tpu.memory_space<semaphore_mem>>
      %dma_start3A_23 = arith.constant 0 : i32
      %dma_start3A_24 = tpu.memref_slice %arg5[%arg0, %mul3A_0, %dma_start3A_23] : memref<2x10240x128xf32, #tpu.memory_space<hbm>> -> memref<1x640x128xf32, #tpu.memory_space<hbm>>
      %dma_start3A_25 = tpu.memref_squeeze %dma_start3A_24 : memref<1x640x128xf32, #tpu.memory_space<hbm>> -> memref<640x128xf32, #tpu.memory_space<hbm>>
      %dma_start3A_26 = arith.constant 0 : i32
      %dma_start3A_27 = tpu.memref_slice %arg8[%mul3A_0, %dma_start3A_26] : memref<10240x128xf32, #tpu.memory_space<vmem_shared>> -> memref<640x128xf32, #tpu.memory_space<vmem_shared>>
      tpu.enqueue_dma source(%dma_start3A_27 : memref<640x128xf32, #tpu.memory_space<vmem_shared>>) target(%dma_start3A_25 : memref<640x128xf32, #tpu.memory_space<hbm>>) target_semaphore(%run_scoped3A : memref<!tpu.dma_semaphore, #tpu.memory_space<semaphore_mem>>)
      %dma_wait3A_28 = arith.constant 0 : i32
      %dma_wait3A_29 = tpu.memref_slice %arg5[%arg0, %mul3A_0, %dma_wait3A_28] : memref<2x10240x128xf32, #tpu.memory_space<hbm>> -> memref<1x640x128xf32, #tpu.memory_space<hbm>>
      %dma_wait3A_30 = tpu.memref_squeeze %dma_wait3A_29 : memref<1x640x128xf32, #tpu.memory_space<hbm>> -> memref<640x128xf32, #tpu.memory_space<hbm>>
      %dma_wait3A_31 = arith.constant 0 : i32
      %dma_wait3A_32 = tpu.memref_slice %arg8[%mul3A_0, %dma_wait3A_31] : memref<10240x128xf32, #tpu.memory_space<vmem_shared>> -> memref<640x128xf32, #tpu.memory_space<vmem_shared>>
      tpu.wait_dma2 semaphore(%run_scoped3A : memref<!tpu.dma_semaphore, #tpu.memory_space<semaphore_mem>>) src(%dma_wait3A_32 : memref<640x128xf32, #tpu.memory_space<vmem_shared>>) dst(%dma_wait3A_30 : memref<640x128xf32, #tpu.memory_space<hbm>>)
      tpu.yield
    }) : () -> ()
    return
  }
}

#map = affine_map<(d0, d1) -> (0, 0)>
#map1 = affine_map<(d0, d1) -> (0, 0, 0)>
module attributes {stable_mosaic.version = 14 : i64} {
  func.func @_seg_kernel(%arg0: i32, %arg1: i32, %arg2: memref<10000x128xf32, #tpu.memory_space<hbm>>, %arg3: memref<2624x2x128xi32, #tpu.memory_space<hbm>>, %arg4: memref<640x128xf32, #tpu.memory_space<hbm>>, %arg5: memref<2x10240x128xf32, #tpu.memory_space<hbm>>, %arg6: memref<96x2x128xi32, #tpu.memory_space<vmem>>, %arg7: memref<128x128xf32, #tpu.memory_space<vmem>>, %arg8: memref<10240x128xf32, #tpu.memory_space<vmem_shared>>, %arg9: memref<!tpu.dma_semaphore, #tpu.memory_space<semaphore_mem>>, %arg10: memref<!tpu.dma_semaphore, #tpu.memory_space<semaphore_mem>>) attributes {dimension_semantics = [#tpu.dimension_semantics<core_parallel>, #tpu.dimension_semantics<subcore_parallel>], iteration_bounds = array<i64: 2, 16>, scalar_prefetch = 0 : i64, scratch_operands = 5 : i64, tpu.core_type = #tpu.core_type<sc_vector_subcore>, window_params = [{transform_indices = #map}, {transform_indices = #map1}, {transform_indices = #map}, {transform_indices = #map1}]} {
    %mul3A = arith.constant 640 : i32
    %mul3A_0 = arith.muli %arg1, %mul3A : i32
    %eq3A = arith.constant 0 : i32
    %eq3A_1 = arith.cmpi eq, %arg0, %eq3A : i32
    %mul3A_2 = arith.constant 96 : i32
    %mul3A_3 = arith.muli %arg1, %mul3A_2 : i32
    %mul3A_4 = arith.constant 62 : i32
    %mul3A_5 = arith.muli %arg1, %mul3A_4 : i32
    %add3A = arith.constant 1536 : i32
    %add3A_6 = arith.addi %add3A, %mul3A_5 : i32
    %select_n3A = arith.select %eq3A_1, %mul3A_3, %add3A_6 : i32
    %eq3A_7 = arith.constant 0 : i32
    %eq3A_8 = arith.cmpi eq, %arg0, %eq3A_7 : i32
    %jit3A = arith.constant 96 : i32
    %jit3A_9 = arith.constant 62 : i32
    %select_n3A_10 = arith.select %eq3A_8, %jit3A, %jit3A_9 : i32
    %dma_start3A = arith.constant 0 : i32
    %dma_start3A_11 = tpu.memref_slice %arg8[%mul3A_0, %dma_start3A] : memref<10240x128xf32, #tpu.memory_space<vmem_shared>> -> memref<640x128xf32, #tpu.memory_space<vmem_shared>>
    tpu.enqueue_dma source(%arg4 : memref<640x128xf32, #tpu.memory_space<hbm>>) target(%dma_start3A_11 : memref<640x128xf32, #tpu.memory_space<vmem_shared>>) target_semaphore(%arg9 : memref<!tpu.dma_semaphore, #tpu.memory_space<semaphore_mem>>)
    "tpu.region"() ({
      %run_scoped3A = tpu.sem_alloc : memref<!tpu.dma_semaphore, #tpu.memory_space<semaphore_mem>>
      %dma_start3A_23 = arith.constant 0 : i32
      %dma_start3A_24 = arith.constant 0 : i32
      %dma_start3A_25 = tpu.memref_slice %arg3[%select_n3A, %dma_start3A_23, %dma_start3A_24] : memref<2624x2x128xi32, #tpu.memory_space<hbm>> -> memref<96x2x128xi32, #tpu.memory_space<hbm>>
      %dma_start3A_26 = arith.constant 0 : i32
      %dma_start3A_27 = arith.constant 0 : i32
      %dma_start3A_28 = tpu.memref_slice %arg3[%select_n3A, %dma_start3A_26, %dma_start3A_27] : memref<2624x2x128xi32, #tpu.memory_space<hbm>> -> memref<96x2x128xi32, #tpu.memory_space<hbm>>
      tpu.enqueue_dma source(%dma_start3A_28 : memref<96x2x128xi32, #tpu.memory_space<hbm>>) target(%arg6 : memref<96x2x128xi32, #tpu.memory_space<vmem>>) target_semaphore(%run_scoped3A : memref<!tpu.dma_semaphore, #tpu.memory_space<semaphore_mem>>)
      %dma_wait3A_29 = arith.constant 0 : i32
      %dma_wait3A_30 = arith.constant 0 : i32
      %dma_wait3A_31 = tpu.memref_slice %arg3[%select_n3A, %dma_wait3A_29, %dma_wait3A_30] : memref<2624x2x128xi32, #tpu.memory_space<hbm>> -> memref<96x2x128xi32, #tpu.memory_space<hbm>>
      %dma_wait3A_32 = arith.constant 0 : i32
      %dma_wait3A_33 = arith.constant 0 : i32
      %dma_wait3A_34 = tpu.memref_slice %arg3[%select_n3A, %dma_wait3A_32, %dma_wait3A_33] : memref<2624x2x128xi32, #tpu.memory_space<hbm>> -> memref<96x2x128xi32, #tpu.memory_space<hbm>>
      tpu.wait_dma2 semaphore(%run_scoped3A : memref<!tpu.dma_semaphore, #tpu.memory_space<semaphore_mem>>) src(%dma_wait3A_34 : memref<96x2x128xi32, #tpu.memory_space<hbm>>) dst(%arg6 : memref<96x2x128xi32, #tpu.memory_space<vmem>>)
      tpu.yield
    }) : () -> ()
    %dma_wait3A = arith.constant 0 : i32
    %dma_wait3A_12 = tpu.memref_slice %arg8[%mul3A_0, %dma_wait3A] : memref<10240x128xf32, #tpu.memory_space<vmem_shared>> -> memref<640x128xf32, #tpu.memory_space<vmem_shared>>
    tpu.wait_dma2 semaphore(%arg9 : memref<!tpu.dma_semaphore, #tpu.memory_space<semaphore_mem>>) src(%arg4 : memref<640x128xf32, #tpu.memory_space<hbm>>) dst(%dma_wait3A_12 : memref<640x128xf32, #tpu.memory_space<vmem_shared>>)
    %barrier3A = arith.constant 0 : index
    tpu.barrier barrier_id(%barrier3A)
    %while3A = arith.constant 0 : i32
    %while3A_13 = arith.constant 0 : i32
    %while3A_14 = arith.subi %select_n3A_10, %while3A_13 : i32
    %while3A_15 = arith.addi %while3A_13, %while3A_14 : i32
    %while3A_16 = arith.constant 1 : i32
    %while3A_17 = arith.divsi %while3A_14, %while3A_16 : i32
    %while3A_18 = arith.muli %while3A_17, %while3A_16 : i32
    %while3A_19 = arith.addi %while3A_13, %while3A_18 : i32
    %while3A_20 = arith.constant 1 : i32
    scf.for %while3A_23 = %while3A_13 to %while3A_19 step %while3A_20  : i32 {
      %dma_start3A_24 = arith.constant 0 : i32
      %dma_start3A_25 = arith.constant 0 : i32
      %dma_start3A_26 = tpu.memref_slice %arg6[%while3A_23, %dma_start3A_24, %dma_start3A_25] : memref<96x2x128xi32, #tpu.memory_space<vmem>> -> memref<1x1x128xi32, #tpu.memory_space<vmem>>
      %dma_start3A_27 = tpu.memref_squeeze %dma_start3A_26 : memref<1x1x128xi32, #tpu.memory_space<vmem>> -> memref<128xi32, #tpu.memory_space<vmem>>
      %dma_start3A_28 = arith.constant 0 : i32
      %dma_start3A_29 = arith.constant 0 : i32
      %dma_start3A_30 = tpu.memref_slice %arg2[%dma_start3A_28, %dma_start3A_29] : memref<10000x128xf32, #tpu.memory_space<hbm>> -> memref<10000x128xf32, #tpu.memory_space<hbm>>
      tpu.enqueue_indirect_dma source(%dma_start3A_30 : memref<10000x128xf32, #tpu.memory_space<hbm>>) target(%arg7 : memref<128x128xf32, #tpu.memory_space<vmem>>) offsets(%dma_start3A_27 : memref<128xi32, #tpu.memory_space<vmem>>) semaphore(%arg10 : memref<!tpu.dma_semaphore, #tpu.memory_space<semaphore_mem>>)
      %dma_wait3A_31 = arith.constant 0 : i32
      %dma_wait3A_32 = arith.constant 0 : i32
      %dma_wait3A_33 = tpu.memref_slice %arg6[%while3A_23, %dma_wait3A_31, %dma_wait3A_32] : memref<96x2x128xi32, #tpu.memory_space<vmem>> -> memref<1x1x128xi32, #tpu.memory_space<vmem>>
      %dma_wait3A_34 = tpu.memref_squeeze %dma_wait3A_33 : memref<1x1x128xi32, #tpu.memory_space<vmem>> -> memref<128xi32, #tpu.memory_space<vmem>>
      %dma_wait3A_35 = arith.constant 0 : i32
      %dma_wait3A_36 = arith.constant 0 : i32
      %dma_wait3A_37 = tpu.memref_slice %arg2[%dma_wait3A_35, %dma_wait3A_36] : memref<10000x128xf32, #tpu.memory_space<hbm>> -> memref<10000x128xf32, #tpu.memory_space<hbm>>
      tpu.wait_indirect_dma semaphore(%arg10 : memref<!tpu.dma_semaphore, #tpu.memory_space<semaphore_mem>>) src(%dma_wait3A_37 : memref<10000x128xf32, #tpu.memory_space<hbm>>) dst(%arg7 : memref<128x128xf32, #tpu.memory_space<vmem>>)
      %run_scoped3A = arith.constant 1 : i32
      "tpu.region"() ({
        %run_scoped3A_38 = tpu.sem_alloc : memref<!tpu.dma_semaphore, #tpu.memory_space<semaphore_mem>>
        %dma_start3A_39 = arith.constant 0 : i32
        %dma_start3A_40 = tpu.memref_slice %arg6[%while3A_23, %run_scoped3A, %dma_start3A_39] : memref<96x2x128xi32, #tpu.memory_space<vmem>> -> memref<1x1x128xi32, #tpu.memory_space<vmem>>
        %dma_start3A_41 = tpu.memref_squeeze %dma_start3A_40 : memref<1x1x128xi32, #tpu.memory_space<vmem>> -> memref<128xi32, #tpu.memory_space<vmem>>
        %dma_start3A_42 = arith.constant 0 : i32
        %dma_start3A_43 = arith.constant 0 : i32
        %dma_start3A_44 = tpu.memref_slice %arg8[%dma_start3A_42, %dma_start3A_43] : memref<10240x128xf32, #tpu.memory_space<vmem_shared>> -> memref<10240x128xf32, #tpu.memory_space<vmem_shared>>
        tpu.enqueue_indirect_dma source(%arg7 : memref<128x128xf32, #tpu.memory_space<vmem>>) target(%dma_start3A_44 : memref<10240x128xf32, #tpu.memory_space<vmem_shared>>) offsets(%dma_start3A_41 : memref<128xi32, #tpu.memory_space<vmem>>) semaphore(%run_scoped3A_38 : memref<!tpu.dma_semaphore, #tpu.memory_space<semaphore_mem>>) {add = true}
        %dma_wait3A_45 = arith.constant 0 : i32
        %dma_wait3A_46 = tpu.memref_slice %arg6[%while3A_23, %run_scoped3A, %dma_wait3A_45] : memref<96x2x128xi32, #tpu.memory_space<vmem>> -> memref<1x1x128xi32, #tpu.memory_space<vmem>>
        %dma_wait3A_47 = tpu.memref_squeeze %dma_wait3A_46 : memref<1x1x128xi32, #tpu.memory_space<vmem>> -> memref<128xi32, #tpu.memory_space<vmem>>
        %dma_wait3A_48 = arith.constant 0 : i32
        %dma_wait3A_49 = arith.constant 0 : i32
        %dma_wait3A_50 = tpu.memref_slice %arg8[%dma_wait3A_48, %dma_wait3A_49] : memref<10240x128xf32, #tpu.memory_space<vmem_shared>> -> memref<10240x128xf32, #tpu.memory_space<vmem_shared>>
        tpu.wait_indirect_dma semaphore(%run_scoped3A_38 : memref<!tpu.dma_semaphore, #tpu.memory_space<semaphore_mem>>) src(%arg7 : memref<128x128xf32, #tpu.memory_space<vmem>>) dst(%dma_wait3A_50 : memref<10240x128xf32, #tpu.memory_space<vmem_shared>>)
        tpu.yield
      }) : () -> ()
    }
    %while3A_21 = arith.constant 1 : i32
    scf.for %while3A_23 = %while3A_19 to %while3A_15 step %while3A_21  : i32 {
      %dma_start3A_24 = arith.constant 0 : i32
      %dma_start3A_25 = arith.constant 0 : i32
      %dma_start3A_26 = tpu.memref_slice %arg6[%while3A_23, %dma_start3A_24, %dma_start3A_25] : memref<96x2x128xi32, #tpu.memory_space<vmem>> -> memref<1x1x128xi32, #tpu.memory_space<vmem>>
      %dma_start3A_27 = tpu.memref_squeeze %dma_start3A_26 : memref<1x1x128xi32, #tpu.memory_space<vmem>> -> memref<128xi32, #tpu.memory_space<vmem>>
      %dma_start3A_28 = arith.constant 0 : i32
      %dma_start3A_29 = arith.constant 0 : i32
      %dma_start3A_30 = tpu.memref_slice %arg2[%dma_start3A_28, %dma_start3A_29] : memref<10000x128xf32, #tpu.memory_space<hbm>> -> memref<10000x128xf32, #tpu.memory_space<hbm>>
      tpu.enqueue_indirect_dma source(%dma_start3A_30 : memref<10000x128xf32, #tpu.memory_space<hbm>>) target(%arg7 : memref<128x128xf32, #tpu.memory_space<vmem>>) offsets(%dma_start3A_27 : memref<128xi32, #tpu.memory_space<vmem>>) semaphore(%arg10 : memref<!tpu.dma_semaphore, #tpu.memory_space<semaphore_mem>>)
      %dma_wait3A_31 = arith.constant 0 : i32
      %dma_wait3A_32 = arith.constant 0 : i32
      %dma_wait3A_33 = tpu.memref_slice %arg6[%while3A_23, %dma_wait3A_31, %dma_wait3A_32] : memref<96x2x128xi32, #tpu.memory_space<vmem>> -> memref<1x1x128xi32, #tpu.memory_space<vmem>>
      %dma_wait3A_34 = tpu.memref_squeeze %dma_wait3A_33 : memref<1x1x128xi32, #tpu.memory_space<vmem>> -> memref<128xi32, #tpu.memory_space<vmem>>
      %dma_wait3A_35 = arith.constant 0 : i32
      %dma_wait3A_36 = arith.constant 0 : i32
      %dma_wait3A_37 = tpu.memref_slice %arg2[%dma_wait3A_35, %dma_wait3A_36] : memref<10000x128xf32, #tpu.memory_space<hbm>> -> memref<10000x128xf32, #tpu.memory_space<hbm>>
      tpu.wait_indirect_dma semaphore(%arg10 : memref<!tpu.dma_semaphore, #tpu.memory_space<semaphore_mem>>) src(%dma_wait3A_37 : memref<10000x128xf32, #tpu.memory_space<hbm>>) dst(%arg7 : memref<128x128xf32, #tpu.memory_space<vmem>>)
      %run_scoped3A = arith.constant 1 : i32
      "tpu.region"() ({
        %run_scoped3A_38 = tpu.sem_alloc : memref<!tpu.dma_semaphore, #tpu.memory_space<semaphore_mem>>
        %dma_start3A_39 = arith.constant 0 : i32
        %dma_start3A_40 = tpu.memref_slice %arg6[%while3A_23, %run_scoped3A, %dma_start3A_39] : memref<96x2x128xi32, #tpu.memory_space<vmem>> -> memref<1x1x128xi32, #tpu.memory_space<vmem>>
        %dma_start3A_41 = tpu.memref_squeeze %dma_start3A_40 : memref<1x1x128xi32, #tpu.memory_space<vmem>> -> memref<128xi32, #tpu.memory_space<vmem>>
        %dma_start3A_42 = arith.constant 0 : i32
        %dma_start3A_43 = arith.constant 0 : i32
        %dma_start3A_44 = tpu.memref_slice %arg8[%dma_start3A_42, %dma_start3A_43] : memref<10240x128xf32, #tpu.memory_space<vmem_shared>> -> memref<10240x128xf32, #tpu.memory_space<vmem_shared>>
        tpu.enqueue_indirect_dma source(%arg7 : memref<128x128xf32, #tpu.memory_space<vmem>>) target(%dma_start3A_44 : memref<10240x128xf32, #tpu.memory_space<vmem_shared>>) offsets(%dma_start3A_41 : memref<128xi32, #tpu.memory_space<vmem>>) semaphore(%run_scoped3A_38 : memref<!tpu.dma_semaphore, #tpu.memory_space<semaphore_mem>>) {add = true}
        %dma_wait3A_45 = arith.constant 0 : i32
        %dma_wait3A_46 = tpu.memref_slice %arg6[%while3A_23, %run_scoped3A, %dma_wait3A_45] : memref<96x2x128xi32, #tpu.memory_space<vmem>> -> memref<1x1x128xi32, #tpu.memory_space<vmem>>
        %dma_wait3A_47 = tpu.memref_squeeze %dma_wait3A_46 : memref<1x1x128xi32, #tpu.memory_space<vmem>> -> memref<128xi32, #tpu.memory_space<vmem>>
        %dma_wait3A_48 = arith.constant 0 : i32
        %dma_wait3A_49 = arith.constant 0 : i32
        %dma_wait3A_50 = tpu.memref_slice %arg8[%dma_wait3A_48, %dma_wait3A_49] : memref<10240x128xf32, #tpu.memory_space<vmem_shared>> -> memref<10240x128xf32, #tpu.memory_space<vmem_shared>>
        tpu.wait_indirect_dma semaphore(%run_scoped3A_38 : memref<!tpu.dma_semaphore, #tpu.memory_space<semaphore_mem>>) src(%arg7 : memref<128x128xf32, #tpu.memory_space<vmem>>) dst(%dma_wait3A_50 : memref<10240x128xf32, #tpu.memory_space<vmem_shared>>)
        tpu.yield
      }) : () -> ()
    }
    %barrier3A_22 = arith.constant 0 : index
    tpu.barrier barrier_id(%barrier3A_22)
    "tpu.region"() ({
      %run_scoped3A = tpu.sem_alloc : memref<!tpu.dma_semaphore, #tpu.memory_space<semaphore_mem>>
      %dma_start3A_23 = arith.constant 0 : i32
      %dma_start3A_24 = tpu.memref_slice %arg5[%arg0, %mul3A_0, %dma_start3A_23] : memref<2x10240x128xf32, #tpu.memory_space<hbm>> -> memref<1x640x128xf32, #tpu.memory_space<hbm>>
      %dma_start3A_25 = tpu.memref_squeeze %dma_start3A_24 : memref<1x640x128xf32, #tpu.memory_space<hbm>> -> memref<640x128xf32, #tpu.memory_space<hbm>>
      %dma_start3A_26 = arith.constant 0 : i32
      %dma_start3A_27 = tpu.memref_slice %arg8[%mul3A_0, %dma_start3A_26] : memref<10240x128xf32, #tpu.memory_space<vmem_shared>> -> memref<640x128xf32, #tpu.memory_space<vmem_shared>>
      tpu.enqueue_dma source(%dma_start3A_27 : memref<640x128xf32, #tpu.memory_space<vmem_shared>>) target(%dma_start3A_25 : memref<640x128xf32, #tpu.memory_space<hbm>>) target_semaphore(%run_scoped3A : memref<!tpu.dma_semaphore, #tpu.memory_space<semaphore_mem>>)
      %dma_wait3A_28 = arith.constant 0 : i32
      %dma_wait3A_29 = tpu.memref_slice %arg5[%arg0, %mul3A_0, %dma_wait3A_28] : memref<2x10240x128xf32, #tpu.memory_space<hbm>> -> memref<1x640x128xf32, #tpu.memory_space<hbm>>
      %dma_wait3A_30 = tpu.memref_squeeze %dma_wait3A_29 : memref<1x640x128xf32, #tpu.memory_space<hbm>> -> memref<640x128xf32, #tpu.memory_space<hbm>>
      %dma_wait3A_31 = arith.constant 0 : i32
      %dma_wait3A_32 = tpu.memref_slice %arg8[%mul3A_0, %dma_wait3A_31] : memref<10240x128xf32, #tpu.memory_space<vmem_shared>> -> memref<640x128xf32, #tpu.memory_space<vmem_shared>>
      tpu.wait_dma2 semaphore(%run_scoped3A : memref<!tpu.dma_semaphore, #tpu.memory_space<semaphore_mem>>) src(%dma_wait3A_32 : memref<640x128xf32, #tpu.memory_space<vmem_shared>>) dst(%dma_wait3A_30 : memref<640x128xf32, #tpu.memory_space<hbm>>)
      tpu.yield
    }) : () -> ()
    return
  }
}

module attributes {stable_mosaic.version = 14 : i64} {
  func.func @_mm_scale_body(%arg0: memref<10000x128xf32, #tpu.memory_space<vmem>>, %arg1: memref<128x128xf32, #tpu.memory_space<vmem>>, %arg2: memref<2x10240x1xf32, #tpu.memory_space<vmem>>, %arg3: memref<10000x128xf32, #tpu.memory_space<vmem>>, %arg4: memref<10000x1xf32, #tpu.memory_space<vmem>>) attributes {dimension_semantics = [], scalar_prefetch = 0 : i64, scratch_operands = 0 : i64, tpu.core_type = #tpu.core_type<tc>} {
    %get3A = arith.constant 0 : index
    %get3A_0 = arith.constant 0 : index
    %get3A_1 = arith.constant 0 : index
    %get3A_2 = vector.load %arg2[%get3A, %get3A_0, %get3A_1] : memref<2x10240x1xf32, #tpu.memory_space<vmem>>, vector<1x10240x1xf32>
    %get3A_3 = vector.shape_cast %get3A_2 : vector<1x10240x1xf32> to vector<10240x1xf32>
    %get3A_4 = arith.constant 1 : index
    %get3A_5 = arith.constant 0 : index
    %get3A_6 = arith.constant 0 : index
    %get3A_7 = vector.load %arg2[%get3A_4, %get3A_5, %get3A_6] : memref<2x10240x1xf32, #tpu.memory_space<vmem>>, vector<1x10240x1xf32>
    %get3A_8 = vector.shape_cast %get3A_7 : vector<1x10240x1xf32> to vector<10240x1xf32>
    %add3A = arith.addf %get3A_3, %get3A_8 : vector<10240x1xf32>
    %slice3A = vector.extract_strided_slice %add3A {offsets = [0, 0], sizes = [10000, 1], strides = [1, 1]} : vector<10240x1xf32> to vector<10000x1xf32>
    %add3A_9 = arith.constant 1.000000e+00 : f32
    %add3A_10 = vector.broadcast %add3A_9 : f32 to vector<10000x1xf32>
    %add3A_11 = arith.addf %slice3A, %add3A_10 : vector<10000x1xf32>
    %rsqrt3A = math.rsqrt %add3A_11 : vector<10000x1xf32>
    %get3A_12 = arith.constant 0 : index
    %get3A_13 = arith.constant 0 : index
    %get3A_14 = vector.load %arg0[%get3A_12, %get3A_13] : memref<10000x128xf32, #tpu.memory_space<vmem>>, vector<10000x128xf32>
    %get3A_15 = arith.constant 0 : index
    %get3A_16 = arith.constant 0 : index
    %get3A_17 = vector.load %arg1[%get3A_15, %get3A_16] : memref<128x128xf32, #tpu.memory_space<vmem>>, vector<128x128xf32>
    %dot_general3A = arith.constant dense<0.000000e+00> : vector<10000x128xf32>
    %dot_general3A_18 = tpu.matmul %get3A_14, %get3A_17, %dot_general3A {dimension_numbers = #tpu.dot_dimension_numbers<[1], [0], [0], [1], [0, 0, 1, 1], [], []>, transpose_lhs_hint = false} : vector<10000x128xf32>, vector<128x128xf32>, vector<10000x128xf32> -> vector<10000x128xf32>
    %mul3A = vector.broadcast %rsqrt3A : vector<10000x1xf32> to vector<10000x128xf32>
    %mul3A_19 = arith.mulf %dot_general3A_18, %mul3A : vector<10000x128xf32>
    %swap3A = arith.constant 0 : index
    %swap3A_20 = arith.constant 0 : index
    %swap3A_21 = vector.load %arg3[%swap3A, %swap3A_20] : memref<10000x128xf32, #tpu.memory_space<vmem>>, vector<10000x128xf32>
    tpu.vector_store %arg3[%swap3A, %swap3A_20], %mul3A_19 {strides = array<i32>} : memref<10000x128xf32, #tpu.memory_space<vmem>>, vector<10000x128xf32>,
    %swap3A_22 = arith.constant 0 : index
    %swap3A_23 = arith.constant 0 : index
    %swap3A_24 = vector.load %arg4[%swap3A_22, %swap3A_23] : memref<10000x1xf32, #tpu.memory_space<vmem>>, vector<10000x1xf32>
    tpu.vector_store %arg4[%swap3A_22, %swap3A_23], %rsqrt3A {strides = array<i32>} : memref<10000x1xf32, #tpu.memory_space<vmem>>, vector<10000x1xf32>,
    return
  }
}

module attributes {stable_mosaic.version = 14 : i64} {
  func.func @_layer_body(%arg0: memref<2x10240x128xf32, #tpu.memory_space<vmem>>, %arg1: memref<10000x128xf32, #tpu.memory_space<vmem>>, %arg2: memref<10000x1xf32, #tpu.memory_space<vmem>>, %arg3: memref<1x128xf32, #tpu.memory_space<vmem>>, %arg4: memref<128x128xf32, #tpu.memory_space<vmem>>, %arg5: memref<10000x128xf32, #tpu.memory_space<vmem>>) attributes {dimension_semantics = [], scalar_prefetch = 0 : i64, scratch_operands = 0 : i64, tpu.core_type = #tpu.core_type<tc>} {
    %get3A = arith.constant 0 : index
    %get3A_0 = arith.constant 0 : index
    %get3A_1 = arith.constant 0 : index
    %get3A_2 = vector.load %arg0[%get3A, %get3A_0, %get3A_1] : memref<2x10240x128xf32, #tpu.memory_space<vmem>>, vector<1x10000x128xf32>
    %get3A_3 = vector.shape_cast %get3A_2 : vector<1x10000x128xf32> to vector<10000x128xf32>
    %get3A_4 = arith.constant 1 : index
    %get3A_5 = arith.constant 0 : index
    %get3A_6 = arith.constant 0 : index
    %get3A_7 = vector.load %arg0[%get3A_4, %get3A_5, %get3A_6] : memref<2x10240x128xf32, #tpu.memory_space<vmem>>, vector<1x10000x128xf32>
    %get3A_8 = vector.shape_cast %get3A_7 : vector<1x10000x128xf32> to vector<10000x128xf32>
    %add3A = arith.addf %get3A_3, %get3A_8 : vector<10000x128xf32>
    %get3A_9 = arith.constant 0 : index
    %get3A_10 = arith.constant 0 : index
    %get3A_11 = vector.load %arg1[%get3A_9, %get3A_10] : memref<10000x128xf32, #tpu.memory_space<vmem>>, vector<10000x128xf32>
    %add3A_12 = arith.addf %add3A, %get3A_11 : vector<10000x128xf32>
    %get3A_13 = arith.constant 0 : index
    %get3A_14 = arith.constant 0 : index
    %get3A_15 = vector.load %arg2[%get3A_13, %get3A_14] : memref<10000x1xf32, #tpu.memory_space<vmem>>, vector<10000x1xf32>
    %mul3A = vector.broadcast %get3A_15 : vector<10000x1xf32> to vector<10000x128xf32>
    %mul3A_16 = arith.mulf %add3A_12, %mul3A : vector<10000x128xf32>
    %get3A_17 = arith.constant 0 : index
    %get3A_18 = arith.constant 0 : index
    %get3A_19 = vector.load %arg3[%get3A_17, %get3A_18] : memref<1x128xf32, #tpu.memory_space<vmem>>, vector<1x128xf32>
    %add3A_20 = vector.broadcast %get3A_19 : vector<1x128xf32> to vector<10000x128xf32>
    %add3A_21 = arith.addf %mul3A_16, %add3A_20 : vector<10000x128xf32>
    %max3A = arith.constant 0.000000e+00 : f32
    %max3A_22 = vector.broadcast %max3A : f32 to vector<10000x128xf32>
    %max3A_23 = arith.maximumf %add3A_21, %max3A_22 : vector<10000x128xf32>
    %get3A_24 = arith.constant 0 : index
    %get3A_25 = arith.constant 0 : index
    %get3A_26 = vector.load %arg4[%get3A_24, %get3A_25] : memref<128x128xf32, #tpu.memory_space<vmem>>, vector<128x128xf32>
    %dot_general3A = arith.constant dense<0.000000e+00> : vector<10000x128xf32>
    %dot_general3A_27 = tpu.matmul %max3A_23, %get3A_26, %dot_general3A {dimension_numbers = #tpu.dot_dimension_numbers<[1], [0], [0], [1], [0, 0, 1, 1], [], []>, transpose_lhs_hint = false} : vector<10000x128xf32>, vector<128x128xf32>, vector<10000x128xf32> -> vector<10000x128xf32>
    %mul3A_28 = vector.broadcast %get3A_15 : vector<10000x1xf32> to vector<10000x128xf32>
    %mul3A_29 = arith.mulf %dot_general3A_27, %mul3A_28 : vector<10000x128xf32>
    %swap3A = arith.constant 0 : index
    %swap3A_30 = arith.constant 0 : index
    %swap3A_31 = vector.load %arg5[%swap3A, %swap3A_30] : memref<10000x128xf32, #tpu.memory_space<vmem>>, vector<10000x128xf32>
    tpu.vector_store %arg5[%swap3A, %swap3A_30], %mul3A_29 {strides = array<i32>} : memref<10000x128xf32, #tpu.memory_space<vmem>>, vector<10000x128xf32>,
    return
  }
}

module attributes {stable_mosaic.version = 14 : i64} {
  func.func @_final_body(%arg0: memref<2x10240x128xf32, #tpu.memory_space<vmem>>, %arg1: memref<10000x128xf32, #tpu.memory_space<vmem>>, %arg2: memref<10000x1xf32, #tpu.memory_space<vmem>>, %arg3: memref<1x128xf32, #tpu.memory_space<vmem>>, %arg4: memref<128x1xf32, #tpu.memory_space<vmem>>, %arg5: memref<1x1xf32, #tpu.memory_space<vmem>>, %arg6: memref<10000x1xf32, #tpu.memory_space<vmem>>) attributes {dimension_semantics = [], scalar_prefetch = 0 : i64, scratch_operands = 0 : i64, tpu.core_type = #tpu.core_type<tc>} {
    %get3A = arith.constant 0 : index
    %get3A_0 = arith.constant 0 : index
    %get3A_1 = arith.constant 0 : index
    %get3A_2 = vector.load %arg0[%get3A, %get3A_0, %get3A_1] : memref<2x10240x128xf32, #tpu.memory_space<vmem>>, vector<1x10000x128xf32>
    %get3A_3 = vector.shape_cast %get3A_2 : vector<1x10000x128xf32> to vector<10000x128xf32>
    %get3A_4 = arith.constant 1 : index
    %get3A_5 = arith.constant 0 : index
    %get3A_6 = arith.constant 0 : index
    %get3A_7 = vector.load %arg0[%get3A_4, %get3A_5, %get3A_6] : memref<2x10240x128xf32, #tpu.memory_space<vmem>>, vector<1x10000x128xf32>
    %get3A_8 = vector.shape_cast %get3A_7 : vector<1x10000x128xf32> to vector<10000x128xf32>
    %add3A = arith.addf %get3A_3, %get3A_8 : vector<10000x128xf32>
    %get3A_9 = arith.constant 0 : index
    %get3A_10 = arith.constant 0 : index
    %get3A_11 = vector.load %arg1[%get3A_9, %get3A_10] : memref<10000x128xf32, #tpu.memory_space<vmem>>, vector<10000x128xf32>
    %add3A_12 = arith.addf %add3A, %get3A_11 : vector<10000x128xf32>
    %get3A_13 = arith.constant 0 : index
    %get3A_14 = arith.constant 0 : index
    %get3A_15 = vector.load %arg2[%get3A_13, %get3A_14] : memref<10000x1xf32, #tpu.memory_space<vmem>>, vector<10000x1xf32>
    %mul3A = vector.broadcast %get3A_15 : vector<10000x1xf32> to vector<10000x128xf32>
    %mul3A_16 = arith.mulf %add3A_12, %mul3A : vector<10000x128xf32>
    %get3A_17 = arith.constant 0 : index
    %get3A_18 = arith.constant 0 : index
    %get3A_19 = vector.load %arg3[%get3A_17, %get3A_18] : memref<1x128xf32, #tpu.memory_space<vmem>>, vector<1x128xf32>
    %add3A_20 = vector.broadcast %get3A_19 : vector<1x128xf32> to vector<10000x128xf32>
    %add3A_21 = arith.addf %mul3A_16, %add3A_20 : vector<10000x128xf32>
    %max3A = arith.constant 0.000000e+00 : f32
    %max3A_22 = vector.broadcast %max3A : f32 to vector<10000x128xf32>
    %max3A_23 = arith.maximumf %add3A_21, %max3A_22 : vector<10000x128xf32>
    %get3A_24 = arith.constant 0 : index
    %get3A_25 = arith.constant 0 : index
    %get3A_26 = vector.load %arg4[%get3A_24, %get3A_25] : memref<128x1xf32, #tpu.memory_space<vmem>>, vector<128x1xf32>
    %dot_general3A = arith.constant dense<0.000000e+00> : vector<10000x1xf32>
    %dot_general3A_27 = tpu.matmul %max3A_23, %get3A_26, %dot_general3A {dimension_numbers = #tpu.dot_dimension_numbers<[1], [0], [0], [1], [0, 0, 1, 1], [], []>, transpose_lhs_hint = false} : vector<10000x128xf32>, vector<128x1xf32>, vector<10000x1xf32> -> vector<10000x1xf32>
    %get3A_28 = arith.constant 0 : index
    %get3A_29 = arith.constant 0 : index
    %get3A_30 = vector.load %arg5[%get3A_28, %get3A_29] : memref<1x1xf32, #tpu.memory_space<vmem>>, vector<1x1xf32>
    %add3A_31 = vector.broadcast %get3A_30 : vector<1x1xf32> to vector<10000x1xf32>
    %add3A_32 = arith.addf %dot_general3A_27, %add3A_31 : vector<10000x1xf32>
    %swap3A = arith.constant 0 : index
    %swap3A_33 = arith.constant 0 : index
    %swap3A_34 = vector.load %arg6[%swap3A, %swap3A_33] : memref<10000x1xf32, #tpu.memory_space<vmem>>, vector<10000x1xf32>
    tpu.vector_store %arg6[%swap3A, %swap3A_33], %add3A_32 {strides = array<i32>} : memref<10000x1xf32, #tpu.memory_space<vmem>>, vector<10000x1xf32>,
    return
  }
}

</mosaic_0001>

<sc_bundles>
// kernel: kernel.11.cloned.1.call-start
scs
__scs_entry_jumppad:
0x0: {  	(pc) =	sbr.rel $0x88, $3  }
0x1: {  	(tag) =	ssettag $0x0;
	lr =	simm.s32 $0x1  }
0x2: {  	[smem:$0x3F99] =	sst lr;
	_ =	strace $0xD0000000  }
0x3: {  	_ = 	snop  }
0x4: {  	_ = 	snop  }
0x5: {  	_ = 	snop  }
0x6: {  	_ = 	snop  }
0x7: {  	_ = 	snop  }
__scs_overlays_trampoline_lowered:
0x8: {  	[smem:$0x3FA8] =	sst s0  }
0x9: {  	[smem:$0x3FA9] =	sst s1  }
0xa: {  	[smem:$0x3FAA] =	sst s2  }
0xb: {  	[smem:$0x3FAB] =	sst s3  }
0xc: {  	[smem:$0x3FAC] =	sst s4  }
0xd: {  	[smem:$0x3FAD] =	sst s5  }
0xe: {  	[smem:$0x3FAE] =	sst s6  }
0xf: {  	[smem:$0x3FAF] =	sst s7  }
0x10: {  	[smem:$0x3FB0] =	sst s8  }
0x11: {  	[smem:$0x3FB1] =	sst s9;
	s0 =	simm.s32 @!p0 $0x0  }
0x12: {  	s1 =	sld [smem:$0x3F97];
	s0 =	simm.s32 @p0 $0x1  }
0x13: {  	[smem:$0x3FB2] =	sst s0;
	s0 =	simm.s32 @!p1 $0x0  }
0x14: {  	s2 =	sld [smem:$0x3F96];
	s0 =	simm.s32 @p1 $0x1  }
0x15: {  	[smem:$0x3FB3] =	sst s0;
	s0 =	simm.s32 @!p2 $0x0  }
0x16: {  	s3 =	sld [smem:$0x3FDB];
	s0 =	simm.s32 @p2 $0x1  }
0x17: {  	s4 =	simm.s32 $0x1BF5;
	[smem:$0x3FB5] =	sst s0  }
0x18: {  	s0 =	sld [smem:$0x3F98];
	_ =	swait.ge [sflag:s4], $0x0  }
0x19: {  	s7 =	sld [smem:$0x3F99]  }
0x1a: {  	s8 =	sadd.s32 $0xFFFFE003, lr  }
0x1b: {  	s9 =	sadd.s32 $0xFFFFFEF7, lr;
	s5 =	simm.s32 $0xFFFFFFFF;
	p2 =	slt.u32 s8, $0xFFFFF086  }
0x1c: {  	p1 =	slt.u32 s9, $0xF7A;
	s5 =	simm.s32 @!p2 $0x0  }
0x1d: {  	s5 =	simm.s32 @p1 $0x1;
	p0 =	seq.s32 s7, s2  }
0x1e: {  	s7 =	smul.u32 @!p0 $0xF7A, s2;
	p2 =	seq.s32 @!p0 s5, $0x0  }
0x1f: {  	s9 =	smul.u32 $0xF7A, s1;
	s8 =	simm.s32 @!p0 $0x1BF5;
	p2 =	por !p2, p0  }
0x20: {  	[sflag:s8] =	ssyncset.s32 @!p0 $0xFFFFF086;
	s6 =	sadd.s32 @!p0 s3, s7;
	s7 =	simm.s32 @!p0 $0x108  }
0x21: {  	s3 =	sadd.s32 s3, s9;
	s6 =	sadd.s32 @!p0 $0x88, s6;
	s7 =	simm.s32 @p2 $0x1082  }
0x22: {  	[simem:s7], [sflag:s8] =	dma.local @!p0 [hbm:s6], $0xF7A  }
0x23: {  	s9 =	sor.u32 $0xD0000000, s2;
	s6 =	simm.s32 $0x108;
	_ =	swait.ge @!p0 [sflag:s8], $0x0  }
0x24: {  	s3 =	sadd.s32 $0x88, s3;
	s6 =	simm.s32 @!p1 $0x1082;
	[sflag:s4] =	ssyncset.s32 $0xFFFFF086  }
0x25: {  	[simem:s6], [sflag:s4] =	dma.local [hbm:s3], $0xF7A  }
0x26: {  	[smem:$0x3F99] =	sst s1;
	(tag) =	ssettag s2;
	_ =	strace s9  }
0x27: {  	s1 =	sld [smem:$0x3FA9]  }
0x28: {  	s2 =	sld [smem:$0x3FAA]  }
0x29: {  	s4 =	sld [smem:$0x3FAC]  }
0x2a: {  	p0 =	seq.s32 s5, $0x0;
	s5 =	sld [smem:$0x3FAD]  }
0x2b: {  	s6 =	sld [smem:$0x3FAE]  }
0x2c: {  	s7 =	sld [smem:$0x3FAF]  }
0x2d: {  	s3 =	simm.s32 $0x108;
	s8 =	sld [smem:$0x3FB0]  }
0x2e: {  	s3 =	simm.s32 @!p0 $0x1082;
	s9 =	sld [smem:$0x3FB1]  }
0x2f: {  	lr =	sadd.s32 s0, s3;
	s0 =	sld [smem:$0x3FA8]  }
0x30: {  	s3 =	sld [smem:$0x3FAB]  }
0x31: {  	[smem:$0x3FB4] =	sst s10  }
0x32: {  	s10 =	sld [smem:$0x3FB2];
	_ =	sdelay $0x3  }
0x33: {  	p0 =	seq.s32 s10, $0x1;
	s10 =	sld [smem:$0x3FB4];
	_ =	sdelay $0x3  }
0x34: {  	[smem:$0x3FB4] =	sst s10  }
0x35: {  	s10 =	sld [smem:$0x3FB3];
	_ =	sdelay $0x3  }
0x36: {  	p1 =	seq.s32 s10, $0x1;
	s10 =	sld [smem:$0x3FB4];
	_ =	sdelay $0x3  }
0x37: {  	[smem:$0x3FB4] =	sst s10  }
0x38: {  	s10 =	sld [smem:$0x3FB5]  }
0x39: {  	_ = 	snop;
	(pc) =	sbr.ind lr, $3  }
0x3a: {  	_ = 	snop  }
0x3b: {  	_ = 	snop  }
0x3c: {  	p2 =	seq.s32 s10, $0x1;
	s10 =	sld [smem:$0x3FB4]  }
0x3d: {  	_ =	shalt  }
0x3e: {  	_ =	shalt  }
0x3f: {  	_ =	shalt  }
0x40: {  	_ =	shalt  }
0x41: {  	_ =	shalt  }
0x42: {  	_ =	shalt  }
0x43: {  	_ =	shalt  }
0x44: {  	_ =	shalt  }
0x45: {  	_ =	shalt  }
0x46: {  	_ =	shalt  }
0x47: {  	_ =	shalt  }
0x48: {  	_ =	shalt  }
0x49: {  	_ =	shalt  }
0x4a: {  	_ =	shalt  }
0x4b: {  	_ =	shalt  }
0x4c: {  	_ =	shalt  }
0x4d: {  	_ =	shalt  }
0x4e: {  	_ =	shalt  }
0x4f: {  	_ =	shalt  }
0x50: {  	_ =	shalt  }
0x51: {  	_ =	shalt  }
0x52: {  	_ =	shalt  }
0x53: {  	_ =	shalt  }
0x54: {  	_ =	shalt  }
0x55: {  	_ =	shalt  }
0x56: {  	_ =	shalt  }
0x57: {  	_ =	shalt  }
0x58: {  	_ =	shalt  }
0x59: {  	_ =	shalt  }
0x5a: {  	_ =	shalt  }
0x5b: {  	_ =	shalt  }
0x5c: {  	_ =	shalt  }
0x5d: {  	_ =	shalt  }
0x5e: {  	_ =	shalt  }
0x5f: {  	_ =	shalt  }
0x60: {  	_ =	shalt  }
0x61: {  	_ =	shalt  }
0x62: {  	_ =	shalt  }
0x63: {  	_ =	shalt  }
0x64: {  	_ =	shalt  }
0x65: {  	_ =	shalt  }
0x66: {  	_ =	shalt  }
0x67: {  	_ =	shalt  }
0x68: {  	_ =	shalt  }
0x69: {  	_ =	shalt  }
0x6a: {  	_ =	shalt  }
0x6b: {  	_ =	shalt  }
0x6c: {  	_ =	shalt  }
0x6d: {  	_ =	shalt  }
0x6e: {  	_ =	shalt  }
0x6f: {  	_ =	shalt  }
0x70: {  	_ =	shalt  }
0x71: {  	_ =	shalt  }
0x72: {  	_ =	shalt  }
0x73: {  	_ =	shalt  }
0x74: {  	_ =	shalt  }
0x75: {  	_ =	shalt  }
0x76: {  	_ =	shalt  }
0x77: {  	_ =	shalt  }
0x78: {  	_ =	shalt  }
0x79: {  	_ =	shalt  }
0x7a: {  	_ =	shalt  }
0x7b: {  	_ =	shalt  }
0x7c: {  	_ =	shalt  }
0x7d: {  	_ =	shalt  }
0x7e: {  	_ =	shalt  }
0x7f: {  	_ =	shalt  }
0x80: {  	_ =	shalt  }
0x81: {  	_ =	shalt  }
0x82: {  	_ =	shalt  }
0x83: {  	_ =	shalt  }
0x84: {  	_ =	shalt  }
0x85: {  	_ =	shalt  }
0x86: {  	_ =	shalt  }
0x87: {  	_ =	shalt  }
.Lfunc_end0:
.L_simem_size_0:
called_computation.1_lowered:
.L_overlay_start_0:
0x88: {  	s2 =	sld [smem:$0x3FD9]  }
0x89: {  	s3 =	sld [smem:$0x3FFE];
	_ =	sdelay $0x1  }
0x8a: {  	s1 =	srdreg.scid  }
0x8b: {  	s0 =	sand.u32 $0x1, s1  }
0x8c: {  	s16 =	sshll.u32 s0, $0xA;
	s2 =	sadd.s32 s3, s2  }
0x8d: {  	s2 =	sadd.s32 s2, s16  }
0x8e: {  	[smem:$0x3FC0] =	sst s2  }
0x8f: {  	_ = 	snop  }
0x90: {  	(tm) =	ssettm $0x1  }
0x91: {  	s17 =	sld [smem:$0x3FFB];
	_ =	sdelay $0x3  }
0x92: {  	_ =	strace s17  }
0x93: {  	s2 =	sld [smem:$0x3FFC];
	_ =	sdelay $0x3  }
0x94: {  	_ =	strace s2  }
0x95: {  	s2 =	sld [smem:$0x3FFD];
	_ =	sdelay $0x3  }
0x96: {  	_ =	strace s2  }
0x97: {  	_ =	strace $0x8FFFFFFF  }
0x98: {  	s18 =	sld [smem:$0x3FDB];
	_ =	sdelay $0x1  }
0x99: {  	s19 =	simm.s32 $_scs_section_size  }
0x9a: {  	s4 =	simm.s32 $_size__tile_overlayer_lowered;
	s5 =	simm.s32 $_tile_overlayer_lowered  }
0x9b: {  	s22 =	simm.s32 $0x1BFF;
	s21 =	sshll.u32 s5, $0x1;
	s2 =	sadd.s32 s19, s18  }
0x9c: {  	s6 =	simm.s32 $0x0;
	s20 =	sshll.u32 s4, $0x1;
	s4 =	sadd.s32 s21, s2  }
0x9d: {  	[timem:s6], [sflag:s22] =	dma.local [hbm:s4], s20  }
0x9e: {  	_ =	swait.ge [sflag:s22], s20  }
0x9f: {  	s3 =	ssub.s32 $0x0, s20;
	[sflag:s22] =	ssyncset.done $0x0  }
0xa0: {  	[sflag:s22] =	ssyncadd.s32 s3;
	_ =	sdelay $0x1  }
0xa1: {  	s23 =	simm.s32 $0x1B8B  }
0xa2: {  	_ =	swait.ge [sflag:s23], $0x1  }
0xa3: {  	[sflag:s23] =	ssyncset.done $0x0  }
0xa4: {  	s25 =	simm.s32 $0x1B8E;
	s24 =	sld [smem:$0x3FFE];
	[sflag:s23] =	ssyncadd.s32 $0xFFFFFFFF  }
0xa5: {  	s26 =	simm.s32 $execute0_lowered;
	[smem:$0x3FD2] =	sst s25  }
0xa6: {  	s4 =	sshll.u32 s26, $0x1;
	_ =	strace $0x80000049;
	[dreg:$0x1] =	wrdreg $0xFFFFFFFF  }
0xa7: {  	s28 =	simm.s32 $_size_execute0_lowered;
	s2 =	sadd.s32 s2, s4;
	[dreg:$0x0] =	wrdreg $0x0  }
0xa8: {  	s4 =	sshll.u32 s28, $0x1;
	[dreg:$0x2] =	wrdreg s2  }
0xa9: {  	[dreg:$0x3] =	wrdreg s4  }
0xaa: {  	[dreg:$0x4] =	wrdreg $0xC0  }
0xab: {  	_ =	task [dreg:s6], $0x5FFFF  }
0xac: {  	[dreg:$0x1] =	wrdreg $0xFFFFFFFF  }
0xad: {  	[dreg:$0x0] =	wrdreg $0x60  }
0xae: {  	[dreg:$0x2] =	wrdreg s24  }
0xaf: {  	[dreg:$0x3] =	wrdreg $0xA0000  }
0xb0: {  	[dreg:$0x4] =	wrdreg $0x9  }
0xb1: {  	_ =	task.clear_ibuf [dreg:s6], $0x5FFFF;
	_ =	strace $0x90000049  }
0xb2: {  	s29 =	simm.s32 $0x9;
	_ =	strace $0x8000004B  }
0xb3: {  	_ =	swait.ge [sflag:s29], $0x1  }
0xb4: {  	[sflag:s29] =	ssyncadd.s32 $0xFFFFFFFF  }
0xb5: {  	_ =	strace $0x9000004B  }
0xb6: {  	_ =	sfence  }
0xb7: {  	s30 =	sld [smem:$0x0];
	_ =	sdelay $0x2  }
0xb8: {  	s31 =	sshll.u32 s1, $0xD;
	s1 =	sshrl.u32 s1, $0x2  }
0xb9: {  	s3 =	sand.u32 $0x4000, s31;
	s1 =	sadd.s32 s1, s30  }
0xba: {  	s0 =	sor.u32 s3, s0;
	s1 =	sshll.u32 s1, $0x11  }
0xbb: {  	s0 =	sor.u32 s1, s0  }
0xbc: {  	s0 =	sadd.s32 $0x8F2B, s0  }
0xbd: {  	[sflag:s0] =	ssyncadd.remote.s32 $0x1  }
0xbe: {  	_ =	sfence.sel $0xFFFF  }
0xbf: {  	[dreg:$0x0] =	wrdreg $0xFFFFFFFF;
	(pc) =	sbr.abs _section_cstart, $3  }
0xc0: {  	[dreg:$0x1] =	wrdreg $0xFFFFFFFF  }
0xc1: {  	_ =	task.clear_ibuf [dreg:s6], $0x2FFFF;
	_ =	strace $0x9FFFFFFF  }
0xc2: {  	(tm) =	ssettm $0x7FFFFFFF  }
0xc3: {  	_ =	shalt  }
tec
execute0_lowered:
.L_overlay_start_1:
0x0: {  	(tag) =	ssettag $0x1  }
0x1: {  	s6 =	rddreg [dreg:$0x0]  }
0x2: {  	s2 =	rddreg [dreg:$0x1]  }
0x3: {  	s0 =	rddreg [dreg:$0x2];
	s1 =	stileid.u32;
	s3 =	simm.s32 $0x0  }
0x4: {  	s4 =	srdreg.scid;
	s14 =	simm.s32 $0x80;
	s5 =	smul.u32 $0x3E, s1  }
0x5: {  	s15 =	simm.s32 $0x6000;
	s7 =	sand.u32 $0x1, s4;
	s4 =	smul.u32 $0x60, s1  }
0x6: {  	s16 =	simm.s32 $0x2;
	s18 =	simm.s32 $0x0;
	s9 =	smul.u32 $0x14000, s1  }
0x7: {  	[smem:$0x7FF] =	sst s3;
	s29 =	smul.u32 $0x50000, s1;
	s17 =	sshll.u32 s1, $0x6  }
0x8: {  	p0 =	seq.s32 s7, $0x0;
	s8 =	smul.u32 $0x140000, s7;
	s7 =	ssub.s32 $0x2, s7  }
0x9: {  	_ =	strace $0x8000004A;
	s5 =	sadd.s32 $0x600, s5;
	s30 =	sshrl.u32 s7, $0x1  }
0xa: {  	s31 =	sshrl.u32 s29, $0x2;
	s5 =	smov.u32 @p0 s4;
	s4 =	sadd.s32 $0x16E00, s6  }
0xb: {  	s28 =	sadd.s32 s9, s8;
	s12 =	ssub.s32 s7, s30;
	s5 =	sshll.u32 s5, $0x5  }
0xc: {  	s13 =	sadd.s32 s31, s2;
	s8 =	sshrl.u32 s28, $0x3;
	s10 =	sadd.s32 s5, s6  }
0xd: {  	s5 =	sadd.s32 $0x3E000, s6;
	s11 =	sadd.s32 s8, s6;
	s6 =	simm.s32 $0x60  }
0xe: {  	s7 =	sor.u32 $0x1C01, s17;
	s17 =	sor.u32 $0x1C03, s17;
	s6 =	simm.s32 @!p0 $0x3E  }
0xf: {  	s8 =	sadd.s32 $0x2600, s10;
	s9 =	sadd.s32 $0x40800, s11;
	s10 =	smax.u32 s12, $0x1  }
0x10: {  	s11 =	sshrl.u32 s13, $0x3;
	s12 =	simm.s32 $0x3;
	s13 =	simm.s32 $0x1  }
.LBB2_1:
0x11: {  	[spmem:s11], [sflag:s7] =	dma.local [hbm:s5], $0x2800  }
0x12: {  	[tilespmem:s3], [sflag:$0x3] =	stream.linear.gather [hbm4b:s8+s3], $0x6000, $0x38;
	[tilespmem:$0x1E000] =	vst v63  }
0x13: {  	_ =	swait.ge [sflag:s12], $0x6000  }
0x14: {  	[sflag:s12] =	ssyncset.done $0x0  }
0x15: {  	[sflag:s12] =	ssyncadd.s32 $0xFFFFA000  }
0x16: {  	_ =	swait.ge [sflag:s13], $0x2800  }
0x17: {  	[sflag:s13] =	ssyncset.done $0x0  }
0x18: {  	[sflag:s13] =	ssyncadd.s32 $0xFFFFD800  }
0x19: {  	[bflag:$0x0] =	sbarrier.arrive $0xFFFF  }
0x1a: {  	[tilespmem:s15], [sflag:$0x2] =	stream.indirect.gather [hbm4b:s4+s14], $0x80, s3, s14, $0xb8;
	[tilespmem:$0x1E000] =	vst v63  }
0x1b: {  	p0 =	sne.s32 s6, $0x1;
	_ =	swait.ge [sflag:s16], $0x4000  }
.Ltmp0:
0x1c: {  	[sflag:s16] =	ssyncset.done $0x0;
	(pc) =	sbr.rel @!p0 .LBB2_3-.Ltmp0, $4  }
0x1d: {  	s19 =	simm.s32 $0x80;
	[sflag:s16] =	ssyncadd.s32 $0xFFFFC000  }
0x1e: {  	[spmem:s2] =	stream.indirect.scatter.add.f32 [tilespmem:s15], [sflag:$0x3], $0x80, s19, s14, $0xb8;
	[tilespmem:$0x1E000] =	vst v63  }
0x1f: {  	_ =	swait.ge [sflag:s12], $0x4000  }
0x20: {  	s20 =	simm.s32 $0x0;
	s19 =	sadd.s32 $0xFFFFFFFF, s6;
	[sflag:s12] =	ssyncset.done $0x0  }
.LBB2_2:
0x21: {  	p0 =	sne.s32 s19, $0x1;
	[sflag:s12] =	ssyncadd.s32 $0xFFFFC000;
	s20 =	sadd.s32 $0x100, s20  }
0x22: {  	[tilespmem:s15], [sflag:$0x2] =	stream.indirect.gather [hbm4b:s4+s14], $0x80, s20, s14, $0xb8;
	[tilespmem:$0x1E000] =	vst v63  }
0x23: {  	s19 =	sadd.s32 $0xFFFFFFFF, s19;
	_ =	swait.ge [sflag:s16], $0x4000  }
.Ltmp1:
0x24: {  	[sflag:s16] =	ssyncset.done $0x0;
	(pc) =	sbr.rel @p0 .LBB2_2-.Ltmp1, $4  }
0x25: {  	s21 =	sadd.s32 $0x80, s20;
	[sflag:s16] =	ssyncadd.s32 $0xFFFFC000  }
0x26: {  	[spmem:s2] =	stream.indirect.scatter.add.f32 [tilespmem:s15], [sflag:$0x3], $0x80, s21, s14, $0xb8;
	[tilespmem:$0x1E000] =	vst v63  }
0x27: {  	_ =	swait.ge [sflag:s12], $0x4000  }
0x28: {  	[sflag:s12] =	ssyncset.done $0x0  }
.LBB2_3:
0x29: {  	s18 =	sadd.s32 $0x1, s18  }
0x2a: {  	[sflag:s12] =	ssyncadd.s32 $0xFFFFC000;
	p0 =	sne.s32 s18, s10  }
.Ltmp2:
0x2b: {  	[bflag:$0x0] =	sbarrier.arrive $0xFFFF;
	(pc) =	sbr.rel @p0 .LBB2_1-.Ltmp2, $4  }
0x2c: {  	[hbm:s9], [sflag:s17] =	dma.local [spmem:s11], $0x2800  }
0x2d: {  	_ =	swait.ge [sflag:s12], $0x2800  }
0x2e: {  	[sflag:s12] =	ssyncset.done $0x0  }
0x2f: {  	[sflag:s12] =	ssyncadd.s32 $0xFFFFD800  }
0x30: {  	_ =	sfence.sel $0x180000  }
0x31: {  	[bflag:$0x0] =	sbarrier.arrive $0xFFFF  }
0x32: {  	p0 =	sne.s32 s1, $0x0;
	_ =	strace $0x9000004A  }
0x33: {  	s0 =	sadd.s32 @!p0 $0x100000, s0;
	[bflag:$0x2] =	sbarrier.arrive $0xFFFF  }
0x34: {  	[sflag:s0] =	ssyncadd.tile.s32 @!p0 $0x1;
	_ =	shalt  }
.Lfunc_end2:
_tile_overlayer_lowered:
.L_overlay_start_2:
0x35: {  	(tag) =	ssettag $0x2  }
0x36: {  	s0 =	rddreg [dreg:$0x0];
	s2 =	stileid.u32  }
0x37: {  	s1 =	rddreg [dreg:$0x1];
	p0 =	sne.s32 s2, $0x0  }
0x38: {  	s3 =	rddreg [dreg:$0x2];
	[bflag:$0x3] =	sbarrier.arrive $0xFFFF;
	s2 =	simm.s32 @!p0 $0x1C03  }
0x39: {  	[timem:s3], [sflag:s2] =	dma.local @!p0 [hbm:s0], s1  }
0x3a: {  	s0 =	simm.s32 @!p0 $0x3  }
0x3b: {  	_ =	swait.ge @!p0 [sflag:s0], s1  }
0x3c: {  	s1 =	ssub.s32 @!p0 $0x0, s1;
	[sflag:s0] =	ssyncset.done @!p0 $0x0  }
0x3d: {  	[sflag:s0] =	ssyncadd.s32 @!p0 s1  }
0x3e: {  	[bflag:$0x3] =	sbarrier.arrive $0xFFFF  }
0x3f: {  	_ =	shalt  }

// kernel: kernel.14.cloned.1.call-start
scs
__scs_entry_jumppad:
0x0: {  	(pc) =	sbr.rel $0x88, $3  }
0x1: {  	(tag) =	ssettag $0x0;
	lr =	simm.s32 $0x1  }
0x2: {  	[smem:$0x3F99] =	sst lr;
	_ =	strace $0xD0000000  }
0x3: {  	_ = 	snop  }
0x4: {  	_ = 	snop  }
0x5: {  	_ = 	snop  }
0x6: {  	_ = 	snop  }
0x7: {  	_ = 	snop  }
__scs_overlays_trampoline_lowered:
0x8: {  	[smem:$0x3FA8] =	sst s0  }
0x9: {  	[smem:$0x3FA9] =	sst s1  }
0xa: {  	[smem:$0x3FAA] =	sst s2  }
0xb: {  	[smem:$0x3FAB] =	sst s3  }
0xc: {  	[smem:$0x3FAC] =	sst s4  }
0xd: {  	[smem:$0x3FAD] =	sst s5  }
0xe: {  	[smem:$0x3FAE] =	sst s6  }
0xf: {  	[smem:$0x3FAF] =	sst s7  }
0x10: {  	[smem:$0x3FB0] =	sst s8  }
0x11: {  	[smem:$0x3FB1] =	sst s9;
	s0 =	simm.s32 @!p0 $0x0  }
0x12: {  	s1 =	sld [smem:$0x3F97];
	s0 =	simm.s32 @p0 $0x1  }
0x13: {  	[smem:$0x3FB2] =	sst s0;
	s0 =	simm.s32 @!p1 $0x0  }
0x14: {  	s2 =	sld [smem:$0x3F96];
	s0 =	simm.s32 @p1 $0x1  }
0x15: {  	[smem:$0x3FB3] =	sst s0;
	s0 =	simm.s32 @!p2 $0x0  }
0x16: {  	s3 =	sld [smem:$0x3FDB];
	s0 =	simm.s32 @p2 $0x1  }
0x17: {  	s4 =	simm.s32 $0x1BF5;
	[smem:$0x3FB5] =	sst s0  }
0x18: {  	s0 =	sld [smem:$0x3F98];
	_ =	swait.ge [sflag:s4], $0x0  }
0x19: {  	s7 =	sld [smem:$0x3F99]  }
0x1a: {  	s8 =	sadd.s32 $0xFFFFE003, lr  }
0x1b: {  	s9 =	sadd.s32 $0xFFFFFEF7, lr;
	s5 =	simm.s32 $0xFFFFFFFF;
	p2 =	slt.u32 s8, $0xFFFFF086  }
0x1c: {  	p1 =	slt.u32 s9, $0xF7A;
	s5 =	simm.s32 @!p2 $0x0  }
0x1d: {  	s5 =	simm.s32 @p1 $0x1;
	p0 =	seq.s32 s7, s2  }
0x1e: {  	s7 =	smul.u32 @!p0 $0xF7A, s2;
	p2 =	seq.s32 @!p0 s5, $0x0  }
0x1f: {  	s9 =	smul.u32 $0xF7A, s1;
	s8 =	simm.s32 @!p0 $0x1BF5;
	p2 =	por !p2, p0  }
0x20: {  	[sflag:s8] =	ssyncset.s32 @!p0 $0xFFFFF086;
	s6 =	sadd.s32 @!p0 s3, s7;
	s7 =	simm.s32 @!p0 $0x108  }
0x21: {  	s3 =	sadd.s32 s3, s9;
	s6 =	sadd.s32 @!p0 $0x88, s6;
	s7 =	simm.s32 @p2 $0x1082  }
0x22: {  	[simem:s7], [sflag:s8] =	dma.local @!p0 [hbm:s6], $0xF7A  }
0x23: {  	s9 =	sor.u32 $0xD0000000, s2;
	s6 =	simm.s32 $0x108;
	_ =	swait.ge @!p0 [sflag:s8], $0x0  }
0x24: {  	s3 =	sadd.s32 $0x88, s3;
	s6 =	simm.s32 @!p1 $0x1082;
	[sflag:s4] =	ssyncset.s32 $0xFFFFF086  }
0x25: {  	[simem:s6], [sflag:s4] =	dma.local [hbm:s3], $0xF7A  }
0x26: {  	[smem:$0x3F99] =	sst s1;
	(tag) =	ssettag s2;
	_ =	strace s9  }
0x27: {  	s1 =	sld [smem:$0x3FA9]  }
0x28: {  	s2 =	sld [smem:$0x3FAA]  }
0x29: {  	s4 =	sld [smem:$0x3FAC]  }
0x2a: {  	p0 =	seq.s32 s5, $0x0;
	s5 =	sld [smem:$0x3FAD]  }
0x2b: {  	s6 =	sld [smem:$0x3FAE]  }
0x2c: {  	s7 =	sld [smem:$0x3FAF]  }
0x2d: {  	s3 =	simm.s32 $0x108;
	s8 =	sld [smem:$0x3FB0]  }
0x2e: {  	s3 =	simm.s32 @!p0 $0x1082;
	s9 =	sld [smem:$0x3FB1]  }
0x2f: {  	lr =	sadd.s32 s0, s3;
	s0 =	sld [smem:$0x3FA8]  }
0x30: {  	s3 =	sld [smem:$0x3FAB]  }
0x31: {  	[smem:$0x3FB4] =	sst s10  }
0x32: {  	s10 =	sld [smem:$0x3FB2];
	_ =	sdelay $0x3  }
0x33: {  	p0 =	seq.s32 s10, $0x1;
	s10 =	sld [smem:$0x3FB4];
	_ =	sdelay $0x3  }
0x34: {  	[smem:$0x3FB4] =	sst s10  }
0x35: {  	s10 =	sld [smem:$0x3FB3];
	_ =	sdelay $0x3  }
0x36: {  	p1 =	seq.s32 s10, $0x1;
	s10 =	sld [smem:$0x3FB4];
	_ =	sdelay $0x3  }
0x37: {  	[smem:$0x3FB4] =	sst s10  }
0x38: {  	s10 =	sld [smem:$0x3FB5]  }
0x39: {  	_ = 	snop;
	(pc) =	sbr.ind lr, $3  }
0x3a: {  	_ = 	snop  }
0x3b: {  	_ = 	snop  }
0x3c: {  	p2 =	seq.s32 s10, $0x1;
	s10 =	sld [smem:$0x3FB4]  }
0x3d: {  	_ =	shalt  }
0x3e: {  	_ =	shalt  }
0x3f: {  	_ =	shalt  }
0x40: {  	_ =	shalt  }
0x41: {  	_ =	shalt  }
0x42: {  	_ =	shalt  }
0x43: {  	_ =	shalt  }
0x44: {  	_ =	shalt  }
0x45: {  	_ =	shalt  }
0x46: {  	_ =	shalt  }
0x47: {  	_ =	shalt  }
0x48: {  	_ =	shalt  }
0x49: {  	_ =	shalt  }
0x4a: {  	_ =	shalt  }
0x4b: {  	_ =	shalt  }
0x4c: {  	_ =	shalt  }
0x4d: {  	_ =	shalt  }
0x4e: {  	_ =	shalt  }
0x4f: {  	_ =	shalt  }
0x50: {  	_ =	shalt  }
0x51: {  	_ =	shalt  }
0x52: {  	_ =	shalt  }
0x53: {  	_ =	shalt  }
0x54: {  	_ =	shalt  }
0x55: {  	_ =	shalt  }
0x56: {  	_ =	shalt  }
0x57: {  	_ =	shalt  }
0x58: {  	_ =	shalt  }
0x59: {  	_ =	shalt  }
0x5a: {  	_ =	shalt  }
0x5b: {  	_ =	shalt  }
0x5c: {  	_ =	shalt  }
0x5d: {  	_ =	shalt  }
0x5e: {  	_ =	shalt  }
0x5f: {  	_ =	shalt  }
0x60: {  	_ =	shalt  }
0x61: {  	_ =	shalt  }
0x62: {  	_ =	shalt  }
0x63: {  	_ =	shalt  }
0x64: {  	_ =	shalt  }
0x65: {  	_ =	shalt  }
0x66: {  	_ =	shalt  }
0x67: {  	_ =	shalt  }
0x68: {  	_ =	shalt  }
0x69: {  	_ =	shalt  }
0x6a: {  	_ =	shalt  }
0x6b: {  	_ =	shalt  }
0x6c: {  	_ =	shalt  }
0x6d: {  	_ =	shalt  }
0x6e: {  	_ =	shalt  }
0x6f: {  	_ =	shalt  }
0x70: {  	_ =	shalt  }
0x71: {  	_ =	shalt  }
0x72: {  	_ =	shalt  }
0x73: {  	_ =	shalt  }
0x74: {  	_ =	shalt  }
0x75: {  	_ =	shalt  }
0x76: {  	_ =	shalt  }
0x77: {  	_ =	shalt  }
0x78: {  	_ =	shalt  }
0x79: {  	_ =	shalt  }
0x7a: {  	_ =	shalt  }
0x7b: {  	_ =	shalt  }
0x7c: {  	_ =	shalt  }
0x7d: {  	_ =	shalt  }
0x7e: {  	_ =	shalt  }
0x7f: {  	_ =	shalt  }
0x80: {  	_ =	shalt  }
0x81: {  	_ =	shalt  }
0x82: {  	_ =	shalt  }
0x83: {  	_ =	shalt  }
0x84: {  	_ =	shalt  }
0x85: {  	_ =	shalt  }
0x86: {  	_ =	shalt  }
0x87: {  	_ =	shalt  }
.Lfunc_end0:
.L_simem_size_0:
called_computation.2_lowered:
.L_overlay_start_0:
0x88: {  	s2 =	sld [smem:$0x3FD9]  }
0x89: {  	s3 =	sld [smem:$0x3FFE];
	_ =	sdelay $0x1  }
0x8a: {  	s1 =	srdreg.scid  }
0x8b: {  	s0 =	sand.u32 $0x1, s1  }
0x8c: {  	s16 =	sshll.u32 s0, $0xA;
	s2 =	sadd.s32 s3, s2  }
0x8d: {  	s2 =	sadd.s32 s2, s16  }
0x8e: {  	[smem:$0x3FC0] =	sst s2  }
0x8f: {  	_ = 	snop  }
0x90: {  	(tm) =	ssettm $0x1  }
0x91: {  	s17 =	sld [smem:$0x3FFB];
	_ =	sdelay $0x3  }
0x92: {  	_ =	strace s17  }
0x93: {  	s2 =	sld [smem:$0x3FFC];
	_ =	sdelay $0x3  }
0x94: {  	_ =	strace s2  }
0x95: {  	s2 =	sld [smem:$0x3FFD];
	_ =	sdelay $0x3  }
0x96: {  	_ =	strace s2  }
0x97: {  	_ =	strace $0x8FFFFFFF  }
0x98: {  	s18 =	sld [smem:$0x3FDB];
	_ =	sdelay $0x1  }
0x99: {  	s19 =	simm.s32 $_scs_section_size  }
0x9a: {  	s4 =	simm.s32 $_size__tile_overlayer_lowered;
	s5 =	simm.s32 $_tile_overlayer_lowered  }
0x9b: {  	s22 =	simm.s32 $0x1BFF;
	s21 =	sshll.u32 s5, $0x1;
	s2 =	sadd.s32 s19, s18  }
0x9c: {  	s6 =	simm.s32 $0x0;
	s20 =	sshll.u32 s4, $0x1;
	s4 =	sadd.s32 s21, s2  }
0x9d: {  	[timem:s6], [sflag:s22] =	dma.local [hbm:s4], s20  }
0x9e: {  	_ =	swait.ge [sflag:s22], s20  }
0x9f: {  	s3 =	ssub.s32 $0x0, s20;
	[sflag:s22] =	ssyncset.done $0x0  }
0xa0: {  	[sflag:s22] =	ssyncadd.s32 s3;
	_ =	sdelay $0x1  }
0xa1: {  	s23 =	simm.s32 $0x1B8B  }
0xa2: {  	_ =	swait.ge [sflag:s23], $0x1  }
0xa3: {  	[sflag:s23] =	ssyncset.done $0x0  }
0xa4: {  	s25 =	simm.s32 $0x1B8E;
	s24 =	sld [smem:$0x3FFE];
	[sflag:s23] =	ssyncadd.s32 $0xFFFFFFFF  }
0xa5: {  	s26 =	simm.s32 $execute0_lowered;
	[smem:$0x3FD2] =	sst s25  }
0xa6: {  	s4 =	sshll.u32 s26, $0x1;
	_ =	strace $0x8000004C;
	[dreg:$0x1] =	wrdreg $0xFFFFFFFF  }
0xa7: {  	s28 =	simm.s32 $_size_execute0_lowered;
	s2 =	sadd.s32 s2, s4;
	[dreg:$0x0] =	wrdreg $0x0  }
0xa8: {  	s4 =	sshll.u32 s28, $0x1;
	[dreg:$0x2] =	wrdreg s2  }
0xa9: {  	[dreg:$0x3] =	wrdreg s4  }
0xaa: {  	[dreg:$0x4] =	wrdreg $0xC0  }
0xab: {  	_ =	task [dreg:s6], $0x5FFFF  }
0xac: {  	[dreg:$0x1] =	wrdreg $0xFFFFFFFF  }
0xad: {  	[dreg:$0x0] =	wrdreg $0x60  }
0xae: {  	[dreg:$0x2] =	wrdreg s24  }
0xaf: {  	[dreg:$0x3] =	wrdreg $0xA0000  }
0xb0: {  	[dreg:$0x4] =	wrdreg $0x9  }
0xb1: {  	_ =	task.clear_ibuf [dreg:s6], $0x5FFFF;
	_ =	strace $0x9000004C  }
0xb2: {  	s29 =	simm.s32 $0x9;
	_ =	strace $0x8000004E  }
0xb3: {  	_ =	swait.ge [sflag:s29], $0x1  }
0xb4: {  	[sflag:s29] =	ssyncadd.s32 $0xFFFFFFFF  }
0xb5: {  	_ =	strace $0x9000004E  }
0xb6: {  	_ =	sfence  }
0xb7: {  	s30 =	sld [smem:$0x0];
	_ =	sdelay $0x2  }
0xb8: {  	s31 =	sshll.u32 s1, $0xD;
	s1 =	sshrl.u32 s1, $0x2  }
0xb9: {  	s3 =	sand.u32 $0x4000, s31;
	s1 =	sadd.s32 s1, s30  }
0xba: {  	s0 =	sor.u32 s3, s0;
	s1 =	sshll.u32 s1, $0x11  }
0xbb: {  	s0 =	sor.u32 s1, s0  }
0xbc: {  	s0 =	sadd.s32 $0x8F2B, s0  }
0xbd: {  	[sflag:s0] =	ssyncadd.remote.s32 $0x1  }
0xbe: {  	_ =	sfence.sel $0xFFFF  }
0xbf: {  	[dreg:$0x0] =	wrdreg $0xFFFFFFFF;
	(pc) =	sbr.abs _section_cstart, $3  }
0xc0: {  	[dreg:$0x1] =	wrdreg $0xFFFFFFFF  }
0xc1: {  	_ =	task.clear_ibuf [dreg:s6], $0x2FFFF;
	_ =	strace $0x9FFFFFFF  }
0xc2: {  	(tm) =	ssettm $0x7FFFFFFF  }
0xc3: {  	_ =	shalt  }
tec
execute0_lowered:
.L_overlay_start_1:
0x0: {  	(tag) =	ssettag $0x1  }
0x1: {  	s6 =	rddreg [dreg:$0x0]  }
0x2: {  	s2 =	rddreg [dreg:$0x1]  }
0x3: {  	s0 =	rddreg [dreg:$0x2];
	s1 =	stileid.u32;
	s3 =	simm.s32 $0x0  }
0x4: {  	s4 =	srdreg.scid;
	s14 =	simm.s32 $0x80;
	s5 =	smul.u32 $0x3E, s1  }
0x5: {  	s15 =	simm.s32 $0x6000;
	s7 =	sand.u32 $0x1, s4;
	s4 =	smul.u32 $0x60, s1  }
0x6: {  	s16 =	simm.s32 $0x2;
	s18 =	simm.s32 $0x0;
	s9 =	smul.u32 $0x14000, s1  }
0x7: {  	[smem:$0x7FF] =	sst s3;
	s29 =	smul.u32 $0x50000, s1;
	s17 =	sshll.u32 s1, $0x6  }
0x8: {  	p0 =	seq.s32 s7, $0x0;
	s8 =	smul.u32 $0x140000, s7;
	s7 =	ssub.s32 $0x2, s7  }
0x9: {  	_ =	strace $0x8000004D;
	s5 =	sadd.s32 $0x600, s5;
	s30 =	sshrl.u32 s7, $0x1  }
0xa: {  	s31 =	sshrl.u32 s29, $0x2;
	s5 =	smov.u32 @p0 s4;
	s4 =	sadd.s32 $0x16E00, s6  }
0xb: {  	s28 =	sadd.s32 s9, s8;
	s12 =	ssub.s32 s7, s30;
	s5 =	sshll.u32 s5, $0x5  }
0xc: {  	s13 =	sadd.s32 s31, s2;
	s8 =	sshrl.u32 s28, $0x3;
	s10 =	sadd.s32 s5, s6  }
0xd: {  	s5 =	sadd.s32 $0x3E000, s6;
	s11 =	sadd.s32 s8, s6;
	s6 =	simm.s32 $0x60  }
0xe: {  	s7 =	sor.u32 $0x1C01, s17;
	s17 =	sor.u32 $0x1C03, s17;
	s6 =	simm.s32 @!p0 $0x3E  }
0xf: {  	s8 =	sadd.s32 $0x2600, s10;
	s9 =	sadd.s32 $0x40800, s11;
	s10 =	smax.u32 s12, $0x1  }
0x10: {  	s11 =	sshrl.u32 s13, $0x3;
	s12 =	simm.s32 $0x3;
	s13 =	simm.s32 $0x1  }
.LBB2_1:
0x11: {  	[spmem:s11], [sflag:s7] =	dma.local [hbm:s5], $0x2800  }
0x12: {  	[tilespmem:s3], [sflag:$0x3] =	stream.linear.gather [hbm4b:s8+s3], $0x6000, $0x38;
	[tilespmem:$0x1E000] =	vst v63  }
0x13: {  	_ =	swait.ge [sflag:s12], $0x6000  }
0x14: {  	[sflag:s12] =	ssyncset.done $0x0  }
0x15: {  	[sflag:s12] =	ssyncadd.s32 $0xFFFFA000  }
0x16: {  	_ =	swait.ge [sflag:s13], $0x2800  }
0x17: {  	[sflag:s13] =	ssyncset.done $0x0  }
0x18: {  	[sflag:s13] =	ssyncadd.s32 $0xFFFFD800  }
0x19: {  	[bflag:$0x0] =	sbarrier.arrive $0xFFFF  }
0x1a: {  	[tilespmem:s15], [sflag:$0x2] =	stream.indirect.gather [hbm4b:s4+s14], $0x80, s3, s14, $0xb8;
	[tilespmem:$0x1E000] =	vst v63  }
0x1b: {  	p0 =	sne.s32 s6, $0x1;
	_ =	swait.ge [sflag:s16], $0x4000  }
.Ltmp0:
0x1c: {  	[sflag:s16] =	ssyncset.done $0x0;
	(pc) =	sbr.rel @!p0 .LBB2_3-.Ltmp0, $4  }
0x1d: {  	s19 =	simm.s32 $0x80;
	[sflag:s16] =	ssyncadd.s32 $0xFFFFC000  }
0x1e: {  	[spmem:s2] =	stream.indirect.scatter.add.f32 [tilespmem:s15], [sflag:$0x3], $0x80, s19, s14, $0xb8;
	[tilespmem:$0x1E000] =	vst v63  }
0x1f: {  	_ =	swait.ge [sflag:s12], $0x4000  }
0x20: {  	s20 =	simm.s32 $0x0;
	s19 =	sadd.s32 $0xFFFFFFFF, s6;
	[sflag:s12] =	ssyncset.done $0x0  }
.LBB2_2:
0x21: {  	p0 =	sne.s32 s19, $0x1;
	[sflag:s12] =	ssyncadd.s32 $0xFFFFC000;
	s20 =	sadd.s32 $0x100, s20  }
0x22: {  	[tilespmem:s15], [sflag:$0x2] =	stream.indirect.gather [hbm4b:s4+s14], $0x80, s20, s14, $0xb8;
	[tilespmem:$0x1E000] =	vst v63  }
0x23: {  	s19 =	sadd.s32 $0xFFFFFFFF, s19;
	_ =	swait.ge [sflag:s16], $0x4000  }
.Ltmp1:
0x24: {  	[sflag:s16] =	ssyncset.done $0x0;
	(pc) =	sbr.rel @p0 .LBB2_2-.Ltmp1, $4  }
0x25: {  	s21 =	sadd.s32 $0x80, s20;
	[sflag:s16] =	ssyncadd.s32 $0xFFFFC000  }
0x26: {  	[spmem:s2] =	stream.indirect.scatter.add.f32 [tilespmem:s15], [sflag:$0x3], $0x80, s21, s14, $0xb8;
	[tilespmem:$0x1E000] =	vst v63  }
0x27: {  	_ =	swait.ge [sflag:s12], $0x4000  }
0x28: {  	[sflag:s12] =	ssyncset.done $0x0  }
.LBB2_3:
0x29: {  	s18 =	sadd.s32 $0x1, s18  }
0x2a: {  	[sflag:s12] =	ssyncadd.s32 $0xFFFFC000;
	p0 =	sne.s32 s18, s10  }
.Ltmp2:
0x2b: {  	[bflag:$0x0] =	sbarrier.arrive $0xFFFF;
	(pc) =	sbr.rel @p0 .LBB2_1-.Ltmp2, $4  }
0x2c: {  	[hbm:s9], [sflag:s17] =	dma.local [spmem:s11], $0x2800  }
0x2d: {  	_ =	swait.ge [sflag:s12], $0x2800  }
0x2e: {  	[sflag:s12] =	ssyncset.done $0x0  }
0x2f: {  	[sflag:s12] =	ssyncadd.s32 $0xFFFFD800  }
0x30: {  	_ =	sfence.sel $0x180000  }
0x31: {  	[bflag:$0x0] =	sbarrier.arrive $0xFFFF  }
0x32: {  	p0 =	sne.s32 s1, $0x0;
	_ =	strace $0x9000004D  }
0x33: {  	s0 =	sadd.s32 @!p0 $0x100000, s0;
	[bflag:$0x2] =	sbarrier.arrive $0xFFFF  }
0x34: {  	[sflag:s0] =	ssyncadd.tile.s32 @!p0 $0x1;
	_ =	shalt  }
.Lfunc_end2:
_tile_overlayer_lowered:
.L_overlay_start_2:
0x35: {  	(tag) =	ssettag $0x2  }
0x36: {  	s0 =	rddreg [dreg:$0x0];
	s2 =	stileid.u32  }
0x37: {  	s1 =	rddreg [dreg:$0x1];
	p0 =	sne.s32 s2, $0x0  }
0x38: {  	s3 =	rddreg [dreg:$0x2];
	[bflag:$0x3] =	sbarrier.arrive $0xFFFF;
	s2 =	simm.s32 @!p0 $0x1C03  }
0x39: {  	[timem:s3], [sflag:s2] =	dma.local @!p0 [hbm:s0], s1  }
0x3a: {  	s0 =	simm.s32 @!p0 $0x3  }
0x3b: {  	_ =	swait.ge @!p0 [sflag:s0], s1  }
0x3c: {  	s1 =	ssub.s32 @!p0 $0x0, s1;
	[sflag:s0] =	ssyncset.done @!p0 $0x0  }
0x3d: {  	[sflag:s0] =	ssyncadd.s32 @!p0 s1  }
0x3e: {  	[bflag:$0x3] =	sbarrier.arrive $0xFFFF  }
0x3f: {  	_ =	shalt  }

// kernel: kernel.8.cloned.1.call-start
scs
__scs_entry_jumppad:
0x0: {  	(pc) =	sbr.rel $0x88, $3  }
0x1: {  	(tag) =	ssettag $0x0;
	lr =	simm.s32 $0x1  }
0x2: {  	[smem:$0x3F99] =	sst lr;
	_ =	strace $0xD0000000  }
0x3: {  	_ = 	snop  }
0x4: {  	_ = 	snop  }
0x5: {  	_ = 	snop  }
0x6: {  	_ = 	snop  }
0x7: {  	_ = 	snop  }
__scs_overlays_trampoline_lowered:
0x8: {  	[smem:$0x3FA8] =	sst s0  }
0x9: {  	[smem:$0x3FA9] =	sst s1  }
0xa: {  	[smem:$0x3FAA] =	sst s2  }
0xb: {  	[smem:$0x3FAB] =	sst s3  }
0xc: {  	[smem:$0x3FAC] =	sst s4  }
0xd: {  	[smem:$0x3FAD] =	sst s5  }
0xe: {  	[smem:$0x3FAE] =	sst s6  }
0xf: {  	[smem:$0x3FAF] =	sst s7  }
0x10: {  	[smem:$0x3FB0] =	sst s8  }
0x11: {  	[smem:$0x3FB1] =	sst s9;
	s0 =	simm.s32 @!p0 $0x0  }
0x12: {  	s1 =	sld [smem:$0x3F97];
	s0 =	simm.s32 @p0 $0x1  }
0x13: {  	[smem:$0x3FB2] =	sst s0;
	s0 =	simm.s32 @!p1 $0x0  }
0x14: {  	s2 =	sld [smem:$0x3F96];
	s0 =	simm.s32 @p1 $0x1  }
0x15: {  	[smem:$0x3FB3] =	sst s0;
	s0 =	simm.s32 @!p2 $0x0  }
0x16: {  	s3 =	sld [smem:$0x3FDB];
	s0 =	simm.s32 @p2 $0x1  }
0x17: {  	s4 =	simm.s32 $0x1BF5;
	[smem:$0x3FB5] =	sst s0  }
0x18: {  	s0 =	sld [smem:$0x3F98];
	_ =	swait.ge [sflag:s4], $0x0  }
0x19: {  	s7 =	sld [smem:$0x3F99]  }
0x1a: {  	s8 =	sadd.s32 $0xFFFFE003, lr  }
0x1b: {  	s9 =	sadd.s32 $0xFFFFFEF7, lr;
	s5 =	simm.s32 $0xFFFFFFFF;
	p2 =	slt.u32 s8, $0xFFFFF086  }
0x1c: {  	p1 =	slt.u32 s9, $0xF7A;
	s5 =	simm.s32 @!p2 $0x0  }
0x1d: {  	s5 =	simm.s32 @p1 $0x1;
	p0 =	seq.s32 s7, s2  }
0x1e: {  	s7 =	smul.u32 @!p0 $0xF7A, s2;
	p2 =	seq.s32 @!p0 s5, $0x0  }
0x1f: {  	s9 =	smul.u32 $0xF7A, s1;
	s8 =	simm.s32 @!p0 $0x1BF5;
	p2 =	por !p2, p0  }
0x20: {  	[sflag:s8] =	ssyncset.s32 @!p0 $0xFFFFF086;
	s6 =	sadd.s32 @!p0 s3, s7;
	s7 =	simm.s32 @!p0 $0x108  }
0x21: {  	s3 =	sadd.s32 s3, s9;
	s6 =	sadd.s32 @!p0 $0x88, s6;
	s7 =	simm.s32 @p2 $0x1082  }
0x22: {  	[simem:s7], [sflag:s8] =	dma.local @!p0 [hbm:s6], $0xF7A  }
0x23: {  	s9 =	sor.u32 $0xD0000000, s2;
	s6 =	simm.s32 $0x108;
	_ =	swait.ge @!p0 [sflag:s8], $0x0  }
0x24: {  	s3 =	sadd.s32 $0x88, s3;
	s6 =	simm.s32 @!p1 $0x1082;
	[sflag:s4] =	ssyncset.s32 $0xFFFFF086  }
0x25: {  	[simem:s6], [sflag:s4] =	dma.local [hbm:s3], $0xF7A  }
0x26: {  	[smem:$0x3F99] =	sst s1;
	(tag) =	ssettag s2;
	_ =	strace s9  }
0x27: {  	s1 =	sld [smem:$0x3FA9]  }
0x28: {  	s2 =	sld [smem:$0x3FAA]  }
0x29: {  	s4 =	sld [smem:$0x3FAC]  }
0x2a: {  	p0 =	seq.s32 s5, $0x0;
	s5 =	sld [smem:$0x3FAD]  }
0x2b: {  	s6 =	sld [smem:$0x3FAE]  }
0x2c: {  	s7 =	sld [smem:$0x3FAF]  }
0x2d: {  	s3 =	simm.s32 $0x108;
	s8 =	sld [smem:$0x3FB0]  }
0x2e: {  	s3 =	simm.s32 @!p0 $0x1082;
	s9 =	sld [smem:$0x3FB1]  }
0x2f: {  	lr =	sadd.s32 s0, s3;
	s0 =	sld [smem:$0x3FA8]  }
0x30: {  	s3 =	sld [smem:$0x3FAB]  }
0x31: {  	[smem:$0x3FB4] =	sst s10  }
0x32: {  	s10 =	sld [smem:$0x3FB2];
	_ =	sdelay $0x3  }
0x33: {  	p0 =	seq.s32 s10, $0x1;
	s10 =	sld [smem:$0x3FB4];
	_ =	sdelay $0x3  }
0x34: {  	[smem:$0x3FB4] =	sst s10  }
0x35: {  	s10 =	sld [smem:$0x3FB3];
	_ =	sdelay $0x3  }
0x36: {  	p1 =	seq.s32 s10, $0x1;
	s10 =	sld [smem:$0x3FB4];
	_ =	sdelay $0x3  }
0x37: {  	[smem:$0x3FB4] =	sst s10  }
0x38: {  	s10 =	sld [smem:$0x3FB5]  }
0x39: {  	_ = 	snop;
	(pc) =	sbr.ind lr, $3  }
0x3a: {  	_ = 	snop  }
0x3b: {  	_ = 	snop  }
0x3c: {  	p2 =	seq.s32 s10, $0x1;
	s10 =	sld [smem:$0x3FB4]  }
0x3d: {  	_ =	shalt  }
0x3e: {  	_ =	shalt  }
0x3f: {  	_ =	shalt  }
0x40: {  	_ =	shalt  }
0x41: {  	_ =	shalt  }
0x42: {  	_ =	shalt  }
0x43: {  	_ =	shalt  }
0x44: {  	_ =	shalt  }
0x45: {  	_ =	shalt  }
0x46: {  	_ =	shalt  }
0x47: {  	_ =	shalt  }
0x48: {  	_ =	shalt  }
0x49: {  	_ =	shalt  }
0x4a: {  	_ =	shalt  }
0x4b: {  	_ =	shalt  }
0x4c: {  	_ =	shalt  }
0x4d: {  	_ =	shalt  }
0x4e: {  	_ =	shalt  }
0x4f: {  	_ =	shalt  }
0x50: {  	_ =	shalt  }
0x51: {  	_ =	shalt  }
0x52: {  	_ =	shalt  }
0x53: {  	_ =	shalt  }
0x54: {  	_ =	shalt  }
0x55: {  	_ =	shalt  }
0x56: {  	_ =	shalt  }
0x57: {  	_ =	shalt  }
0x58: {  	_ =	shalt  }
0x59: {  	_ =	shalt  }
0x5a: {  	_ =	shalt  }
0x5b: {  	_ =	shalt  }
0x5c: {  	_ =	shalt  }
0x5d: {  	_ =	shalt  }
0x5e: {  	_ =	shalt  }
0x5f: {  	_ =	shalt  }
0x60: {  	_ =	shalt  }
0x61: {  	_ =	shalt  }
0x62: {  	_ =	shalt  }
0x63: {  	_ =	shalt  }
0x64: {  	_ =	shalt  }
0x65: {  	_ =	shalt  }
0x66: {  	_ =	shalt  }
0x67: {  	_ =	shalt  }
0x68: {  	_ =	shalt  }
0x69: {  	_ =	shalt  }
0x6a: {  	_ =	shalt  }
0x6b: {  	_ =	shalt  }
0x6c: {  	_ =	shalt  }
0x6d: {  	_ =	shalt  }
0x6e: {  	_ =	shalt  }
0x6f: {  	_ =	shalt  }
0x70: {  	_ =	shalt  }
0x71: {  	_ =	shalt  }
0x72: {  	_ =	shalt  }
0x73: {  	_ =	shalt  }
0x74: {  	_ =	shalt  }
0x75: {  	_ =	shalt  }
0x76: {  	_ =	shalt  }
0x77: {  	_ =	shalt  }
0x78: {  	_ =	shalt  }
0x79: {  	_ =	shalt  }
0x7a: {  	_ =	shalt  }
0x7b: {  	_ =	shalt  }
0x7c: {  	_ =	shalt  }
0x7d: {  	_ =	shalt  }
0x7e: {  	_ =	shalt  }
0x7f: {  	_ =	shalt  }
0x80: {  	_ =	shalt  }
0x81: {  	_ =	shalt  }
0x82: {  	_ =	shalt  }
0x83: {  	_ =	shalt  }
0x84: {  	_ =	shalt  }
0x85: {  	_ =	shalt  }
0x86: {  	_ =	shalt  }
0x87: {  	_ =	shalt  }
.Lfunc_end0:
.L_simem_size_0:
called_computation_lowered:
.L_overlay_start_0:
0x88: {  	s2 =	sld [smem:$0x3FD9]  }
0x89: {  	s3 =	sld [smem:$0x3FFE];
	_ =	sdelay $0x1  }
0x8a: {  	s1 =	srdreg.scid  }
0x8b: {  	s0 =	sand.u32 $0x1, s1  }
0x8c: {  	s16 =	sshll.u32 s0, $0xA;
	s2 =	sadd.s32 s3, s2  }
0x8d: {  	s2 =	sadd.s32 s2, s16  }
0x8e: {  	[smem:$0x3FC0] =	sst s2  }
0x8f: {  	_ = 	snop  }
0x90: {  	(tm) =	ssettm $0x1  }
0x91: {  	s17 =	sld [smem:$0x3FFB];
	_ =	sdelay $0x3  }
0x92: {  	_ =	strace s17  }
0x93: {  	s2 =	sld [smem:$0x3FFC];
	_ =	sdelay $0x3  }
0x94: {  	_ =	strace s2  }
0x95: {  	s2 =	sld [smem:$0x3FFD];
	_ =	sdelay $0x3  }
0x96: {  	_ =	strace s2  }
0x97: {  	_ =	strace $0x8FFFFFFF  }
0x98: {  	s18 =	sld [smem:$0x3FDB];
	_ =	sdelay $0x1  }
0x99: {  	s19 =	simm.s32 $_scs_section_size  }
0x9a: {  	s4 =	simm.s32 $_size__tile_overlayer_lowered;
	s5 =	simm.s32 $_tile_overlayer_lowered  }
0x9b: {  	s22 =	simm.s32 $0x1BFF;
	s21 =	sshll.u32 s5, $0x1;
	s2 =	sadd.s32 s19, s18  }
0x9c: {  	s6 =	simm.s32 $0x0;
	s20 =	sshll.u32 s4, $0x1;
	s4 =	sadd.s32 s21, s2  }
0x9d: {  	[timem:s6], [sflag:s22] =	dma.local [hbm:s4], s20  }
0x9e: {  	_ =	swait.ge [sflag:s22], s20  }
0x9f: {  	s3 =	ssub.s32 $0x0, s20;
	[sflag:s22] =	ssyncset.done $0x0  }
0xa0: {  	[sflag:s22] =	ssyncadd.s32 s3;
	_ =	sdelay $0x1  }
0xa1: {  	s23 =	simm.s32 $0x1B8B  }
0xa2: {  	_ =	swait.ge [sflag:s23], $0x1  }
0xa3: {  	[sflag:s23] =	ssyncset.done $0x0  }
0xa4: {  	s25 =	simm.s32 $0x1B8E;
	s24 =	sld [smem:$0x3FFE];
	[sflag:s23] =	ssyncadd.s32 $0xFFFFFFFF  }
0xa5: {  	s26 =	simm.s32 $execute0_lowered;
	[smem:$0x3FD2] =	sst s25  }
0xa6: {  	s4 =	sshll.u32 s26, $0x1;
	_ =	strace $0x80000046;
	[dreg:$0x1] =	wrdreg $0xFFFFFFFF  }
0xa7: {  	s28 =	simm.s32 $_size_execute0_lowered;
	s2 =	sadd.s32 s2, s4;
	[dreg:$0x0] =	wrdreg $0x0  }
0xa8: {  	s4 =	sshll.u32 s28, $0x1;
	[dreg:$0x2] =	wrdreg s2  }
0xa9: {  	[dreg:$0x3] =	wrdreg s4  }
0xaa: {  	[dreg:$0x4] =	wrdreg $0xC0  }
0xab: {  	_ =	task [dreg:s6], $0x5FFFF  }
0xac: {  	[dreg:$0x1] =	wrdreg $0xFFFFFFFF  }
0xad: {  	[dreg:$0x0] =	wrdreg $0x60  }
0xae: {  	[dreg:$0x2] =	wrdreg s24  }
0xaf: {  	[dreg:$0x3] =	wrdreg $0x52000  }
0xb0: {  	[dreg:$0x4] =	wrdreg $0x9  }
0xb1: {  	_ =	task.clear_ibuf [dreg:s6], $0x5FFFF;
	_ =	strace $0x90000046  }
0xb2: {  	s29 =	simm.s32 $0x9;
	_ =	strace $0x80000048  }
0xb3: {  	_ =	swait.ge [sflag:s29], $0x1  }
0xb4: {  	[sflag:s29] =	ssyncadd.s32 $0xFFFFFFFF  }
0xb5: {  	_ =	strace $0x90000048  }
0xb6: {  	_ =	sfence  }
0xb7: {  	s30 =	sld [smem:$0x0];
	_ =	sdelay $0x2  }
0xb8: {  	s31 =	sshll.u32 s1, $0xD;
	s1 =	sshrl.u32 s1, $0x2  }
0xb9: {  	s3 =	sand.u32 $0x4000, s31;
	s1 =	sadd.s32 s1, s30  }
0xba: {  	s0 =	sor.u32 s3, s0;
	s1 =	sshll.u32 s1, $0x11  }
0xbb: {  	s0 =	sor.u32 s1, s0  }
0xbc: {  	s0 =	sadd.s32 $0x8F2B, s0  }
0xbd: {  	[sflag:s0] =	ssyncadd.remote.s32 $0x1  }
0xbe: {  	_ =	sfence.sel $0xFFFF  }
0xbf: {  	[dreg:$0x0] =	wrdreg $0xFFFFFFFF;
	(pc) =	sbr.abs _section_cstart, $3  }
0xc0: {  	[dreg:$0x1] =	wrdreg $0xFFFFFFFF  }
0xc1: {  	_ =	task.clear_ibuf [dreg:s6], $0x2FFFF;
	_ =	strace $0x9FFFFFFF  }
0xc2: {  	(tm) =	ssettm $0x7FFFFFFF  }
0xc3: {  	_ =	shalt  }
tec
execute0_lowered:
.L_overlay_start_1:
0x0: {  	(tag) =	ssettag $0x1  }
0x1: {  	s4 =	rddreg [dreg:$0x0];
	s0 =	srdreg.scid  }
0x2: {  	s2 =	rddreg [dreg:$0x1];
	s1 =	stileid.u32  }
0x3: {  	s3 =	simm.s32 $0x0;
	s10 =	simm.s32 $0x80;
	s11 =	simm.s32 $0x4F00  }
0x4: {  	s14 =	simm.s32 $0x20;
	s15 =	simm.s32 $0x10;
	s16 =	simm.s32 $0x0  }
0x5: {  	s5 =	sand.u32 $0x1, s0;
	s0 =	rddreg [dreg:$0x2];
	s7 =	smul.u32 $0x500, s1  }
0x6: {  	[smem:$0x7FF] =	sst s3;
	s30 =	smul.u32 $0xA00, s1;
	s12 =	sshll.u32 s1, $0x6  }
0x7: {  	s6 =	sshll.u32 s5, $0x4;
	s8 =	sshll.u32 s5, $0x7;
	_ =	strace $0x80000047  }
0x8: {  	s5 =	ssub.s32 $0x2, s5;
	s12 =	sor.u32 $0x1C01, s12;
	s6 =	sor.u32 s1, s6  }
0x9: {  	s7 =	sor.u32 s8, s7;
	s31 =	sshrl.u32 s5, $0x1;
	s6 =	smul.u32 $0x9E0, s6  }
0xa: {  	s8 =	sshrl.u32 s30, $0x2;
	s7 =	sshrl.u32 s7, $0x3;
	s9 =	ssub.s32 s5, s31  }
0xb: {  	s7 =	sadd.s32 s7, s4;
	s6 =	sadd.s32 s6, s4;
	s4 =	sadd.s32 s8, s2  }
0xc: {  	s8 =	simm.s32 $0x4F80;
	s5 =	sadd.s32 $0x2600, s6;
	s6 =	sadd.s32 $0x16E00, s7  }
0xd: {  	v0 =	vimm.f32 $1.000000000e+00;
	v1 =	vimm.f32 $0.0e+00;
	s7 =	smax.u32 s9, $0x1;
	s9 =	simm.s32 $0x1;
	s13 =	sshrl.u32 s4, $0x3  }
.LBB2_1:
0xe: {  	[tilespmem:$0x4F00] =	vst v0  }
0xf: {  	[tilespmem:$0x4F10] =	vst v0  }
0x10: {  	[tilespmem:$0x4F20] =	vst v0  }
0x11: {  	[tilespmem:$0x4F30] =	vst v0  }
0x12: {  	[tilespmem:$0x4F40] =	vst v0  }
0x13: {  	[tilespmem:$0x4F50] =	vst v0  }
0x14: {  	[tilespmem:$0x4F60] =	vst v0  }
0x15: {  	[tilespmem:$0x4F70] =	vst v0  }
0x16: {  	[tilespmem:$0x4F80] =	vst v1  }
0x17: {  	[tilespmem:$0x4F90] =	vst v1  }
0x18: {  	[tilespmem:$0x4FA0] =	vst v1  }
0x19: {  	[tilespmem:$0x4FB0] =	vst v1  }
0x1a: {  	[tilespmem:$0x4FC0] =	vst v1  }
0x1b: {  	[tilespmem:$0x4FD0] =	vst v1  }
0x1c: {  	[tilespmem:$0x4FE0] =	vst v1  }
0x1d: {  	[tilespmem:$0x4FF0] =	vst v1  }
0x1e: {  	[tilespmem:$0x5000] =	vst v1  }
0x1f: {  	[tilespmem:$0x5010] =	vst v1  }
0x20: {  	[tilespmem:$0x5020] =	vst v1  }
0x21: {  	[tilespmem:$0x5030] =	vst v1  }
0x22: {  	[tilespmem:$0x5040] =	vst v1  }
0x23: {  	[tilespmem:$0x5050] =	vst v1  }
0x24: {  	[tilespmem:$0x5060] =	vst v1  }
0x25: {  	[tilespmem:$0x5070] =	vst v1  }
0x26: {  	[tilespmem:$0x5080] =	vst v1  }
0x27: {  	[tilespmem:$0x5090] =	vst v1  }
0x28: {  	[tilespmem:$0x50A0] =	vst v1  }
0x29: {  	[tilespmem:$0x50B0] =	vst v1  }
0x2a: {  	[tilespmem:$0x50C0] =	vst v1  }
0x2b: {  	[tilespmem:$0x50D0] =	vst v1  }
0x2c: {  	[tilespmem:$0x50E0] =	vst v1  }
0x2d: {  	[tilespmem:$0x50F0] =	vst v1  }
0x2e: {  	[tilespmem:$0x5100] =	vst v1  }
0x2f: {  	[tilespmem:$0x5110] =	vst v1  }
0x30: {  	[tilespmem:$0x5120] =	vst v1  }
0x31: {  	[tilespmem:$0x5130] =	vst v1  }
0x32: {  	[tilespmem:$0x5140] =	vst v1  }
0x33: {  	[tilespmem:$0x5150] =	vst v1  }
0x34: {  	[tilespmem:$0x5160] =	vst v1  }
0x35: {  	[tilespmem:$0x5170] =	vst v1  }
0x36: {  	[tilespmem:$0x5180] =	vst v1  }
0x37: {  	[tilespmem:$0x5190] =	vst v1  }
0x38: {  	[tilespmem:$0x51A0] =	vst v1  }
0x39: {  	[tilespmem:$0x51B0] =	vst v1  }
0x3a: {  	[tilespmem:$0x51C0] =	vst v1  }
0x3b: {  	[tilespmem:$0x51D0] =	vst v1  }
0x3c: {  	[tilespmem:$0x51E0] =	vst v1  }
0x3d: {  	[tilespmem:$0x51F0] =	vst v1  }
0x3e: {  	[spmem:s4] =	stream.linear.scatter [tilespmem:s8], [sflag:$0x1], $0x280, $0x38;
	[tilespmem:$0x5480] =	vst v63  }
0x3f: {  	_ =	swait.ge [sflag:s9], $0x280  }
0x40: {  	[sflag:s9] =	ssyncset.done $0x0  }
0x41: {  	[sflag:s9] =	ssyncadd.s32 $0xFFFFFD80  }
0x42: {  	[bflag:$0x0] =	sbarrier.arrive $0xFFFF  }
0x43: {  	[tilespmem:s3], [sflag:$0x1] =	stream.linear.gather [hbm4b:s5+s3], $0x4F00, $0x38;
	[tilespmem:$0x5480] =	vst v63  }
0x44: {  	_ =	swait.ge [sflag:s9], $0x4F00  }
0x45: {  	[sflag:s9] =	ssyncset.done $0x0  }
0x46: {  	s17 =	simm.s32 $0x80;
	[sflag:s9] =	ssyncadd.s32 $0xFFFFB100  }
0x47: {  	[spmem:s2] =	stream.indirect.scatter.add.f32 [tilespmem:s11], [sflag:$0x1], $0x1, s17, s10, $0xb8;
	[tilespmem:$0x5480] =	vst v63  }
0x48: {  	_ =	swait.ge [sflag:s9], $0x80  }
0x49: {  	s17 =	simm.s32 $0x600;
	[sflag:s9] =	ssyncset.done $0x0  }
.LBB2_2:
0x4a: {  	s18 =	sshra.s32 s17, $0x2;
	[sflag:s9] =	ssyncadd.s32 $0xFFFFFF80;
	p0 =	sne.s32 s17, $0x13A00  }
0x4b: {  	[spmem:s2] =	stream.indirect.scatter.add.f32 [tilespmem:s11], [sflag:$0x1], $0x1, s18, s10, $0xb8;
	[tilespmem:$0x5480] =	vst v63  }
.Ltmp0:
0x4c: {  	_ = 	snop;
	(pc) =	sbr.rel @p0 .LBB2_2-.Ltmp0, $4  }
0x4d: {  	_ = 	snop  }
0x4e: {  	s17 =	sadd.s32 $0x400, s17  }
0x4f: {  	_ =	swait.ge [sflag:s9], $0x80  }
0x50: {  	[sflag:s9] =	ssyncset.done $0x0  }
0x51: {  	s16 =	sadd.s32 $0x1, s16  }
0x52: {  	[sflag:s9] =	ssyncadd.s32 $0xFFFFFF80;
	p0 =	sne.s32 s16, s7  }
.Ltmp1:
0x53: {  	[bflag:$0x0] =	sbarrier.arrive $0xFFFF;
	(pc) =	sbr.rel @p0 .LBB2_1-.Ltmp1, $4  }
0x54: {  	[hbm:s6@s14], [sflag:s12] =	dma.strided [spmem:s13@s15], $0x50, s9, $0x10   }
0x55: {  	_ =	swait.ge [sflag:s9], $0x50  }
0x56: {  	[sflag:s9] =	ssyncset.done $0x0  }
0x57: {  	[sflag:s9] =	ssyncadd.s32 $0xFFFFFFB0  }
0x58: {  	_ =	sfence.sel $0x180000  }
0x59: {  	[bflag:$0x0] =	sbarrier.arrive $0xFFFF  }
0x5a: {  	p0 =	sne.s32 s1, $0x0;
	_ =	strace $0x90000047  }
0x5b: {  	s0 =	sadd.s32 @!p0 $0x100000, s0;
	[bflag:$0x2] =	sbarrier.arrive $0xFFFF  }
0x5c: {  	[sflag:s0] =	ssyncadd.tile.s32 @!p0 $0x1;
	_ =	shalt  }
.Lfunc_end2:
_tile_overlayer_lowered:
.L_overlay_start_2:
0x5d: {  	(tag) =	ssettag $0x2  }
0x5e: {  	s0 =	rddreg [dreg:$0x0];
	s2 =	stileid.u32  }
0x5f: {  	s1 =	rddreg [dreg:$0x1];
	p0 =	sne.s32 s2, $0x0  }
0x60: {  	s3 =	rddreg [dreg:$0x2];
	[bflag:$0x3] =	sbarrier.arrive $0xFFFF;
	s2 =	simm.s32 @!p0 $0x1C01  }
0x61: {  	[timem:s3], [sflag:s2] =	dma.local @!p0 [hbm:s0], s1  }
0x62: {  	s0 =	simm.s32 @!p0 $0x1  }
0x63: {  	_ =	swait.ge @!p0 [sflag:s0], s1  }
0x64: {  	s1 =	ssub.s32 @!p0 $0x0, s1;
	[sflag:s0] =	ssyncset.done @!p0 $0x0  }
0x65: {  	[sflag:s0] =	ssyncadd.s32 @!p0 s1  }
0x66: {  	[bflag:$0x3] =	sbarrier.arrive $0xFFFF  }
0x67: {  	_ =	shalt  }

</sc_bundles>
